<compile_context>
chip_gen: v7x
topology: tpu7x:2x2x1
jax: 0.10.2.dev20260603
libtpu: 0.0.44.dev20260713+nightly
codegen_flags: <defaults>
</compile_context>

<pallas_src>
import functools

import jax
import jax.numpy as jnp
from jax import lax
from jax.experimental import pallas as pl
from jax.experimental.pallas import tpu as pltpu
from jax.experimental.pallas import tpu_sc as plsc

BB = 4
NP = 8192
DF = 256
GG = 1024
KK = 32
XP = 128

_NW = 32
_BIG = 1 << 30



def _fps_body(xyz_ref, idx_ref, lc_ref):
    shp = (8, NP // 8)
    row = lax.broadcasted_iota(jnp.int32, shp, 0)
    col = lax.broadcasted_iota(jnp.int32, shp, 1)
    flat = row * (NP // 8) + col
    coords = [[xyz_ref[b, c] for c in range(3)] for b in range(BB)]

    def step(t, carry):
        dists, far = carry
        new_d, new_f = [], []
        for b in range(BB):
            Xb, Yb, Zb = coords[b]
            sel = flat == far[b]
            zero = jnp.float32(0.0)
            cx = jnp.sum(jnp.where(sel, Xb, zero), keepdims=True)
            cy = jnp.sum(jnp.where(sel, Yb, zero), keepdims=True)
            cz = jnp.sum(jnp.where(sel, Zb, zero), keepdims=True)
            idx_ref[pl.ds(t, 1), b:b + 1] = far[b]
            lc_ref[0, pl.ds(t, 1), b:b + 1] = cx
            lc_ref[1, pl.ds(t, 1), b:b + 1] = cy
            lc_ref[2, pl.ds(t, 1), b:b + 1] = cz
            dx = Xb - cx
            dy = Yb - cy
            dz = Zb - cz
            d = dx * dx + dy * dy + dz * dz
            db = jnp.minimum(dists[b], d)
            m = jnp.max(db, keepdims=True)
            nxt = jnp.min(jnp.where(db == m, flat, _BIG), keepdims=True)
            new_d.append(db)
            new_f.append(nxt)
        return tuple(new_d), tuple(new_f)

    init = (tuple(jnp.full(shp, 1e10, jnp.float32) for _ in range(BB)),
            tuple(jnp.zeros((1, 1), jnp.int32) for _ in range(BB)))
    lax.fori_loop(0, GG, step, init)


def _run_fps(xyzr4):
    return pl.pallas_call(
        _fps_body,
        out_shape=(jax.ShapeDtypeStruct((GG, BB), jnp.int32),
                   jax.ShapeDtypeStruct((3, GG, BB), jnp.float32)),
    )(xyzr4)



_BG = 128


def _bf16r(v):
    u = lax.bitcast_convert_type(v, jnp.uint32)
    r = (u + jnp.uint32(0x7FFF) + ((u >> 16) & jnp.uint32(1))) \
        & jnp.uint32(0xFFFF0000)
    return lax.bitcast_convert_type(r, jnp.float32)


def _knn_body(xyz_ref, lc_ref, out_ref):
    px = xyz_ref[0, :, 0:1]
    py = xyz_ref[0, :, 1:2]
    pz = xyz_ref[0, :, 2:3]
    lcx = lc_ref[0:1]
    lcy = lc_ref[1:2]
    lcz = lc_ref[2:3]
    s2 = lcx * lcx + lcy * lcy + lcz * lcz
    d2 = px * px + py * py + pz * pz
    cross = (_bf16r(lcx) * _bf16r(px) + _bf16r(lcy) * _bf16r(py)
             + _bf16r(lcz) * _bf16r(pz))
    sq = s2 + d2 - 2.0 * cross
    rowid = lax.broadcasted_iota(jnp.int32, (NP, _BG), 0)

    def tk(j, d):
        m = jnp.min(d, axis=0, keepdims=True)
        idx = jnp.min(jnp.where(d == m, rowid, _BIG), axis=0, keepdims=True)
        out_ref[0, pl.ds(j, 1), :] = idx
        return jnp.where(rowid == idx, jnp.float32(jnp.inf), d)

    lax.fori_loop(0, KK, tk, sq)


def _run_knn(xyz, lc3):
    grid = (BB, GG // _BG)
    return pl.pallas_call(
        _knn_body,
        grid=grid,
        in_specs=[
            pl.BlockSpec((1, NP, 3), lambda b, j: (b, 0, 0)),
            pl.BlockSpec((3, _BG), lambda b, j: (0, b * (GG // _BG) + j)),
        ],
        out_specs=pl.BlockSpec((1, KK, _BG), lambda b, j: (b, 0, j)),
        out_shape=jax.ShapeDtypeStruct((BB, KK, GG), jnp.int32),
    )(xyz, lc3)



def _make_sc_gather(n_rows, d, ch):
    rows_w = n_rows // _NW
    n_ch = rows_w // ch
    assert rows_w % ch == 0 and n_rows % _NW == 0
    mesh = plsc.VectorSubcoreMesh(core_axis_name="c", subcore_axis_name="s")

    @functools.partial(
        pl.kernel, mesh=mesh,
        out_type=jax.ShapeDtypeStruct((n_rows, d), jnp.float32),
        scratch_types=[
            pltpu.VMEM((rows_w,), jnp.int32),
            pltpu.VMEM((ch, d), jnp.float32),
            pltpu.SemaphoreType.DMA,
        ],
    )
    def k(tbl_hbm, idx_hbm, out_hbm, idx_v, buf, sem):
        wid = lax.axis_index("s") * 2 + lax.axis_index("c")
        base = wid * rows_w
        pltpu.sync_copy(idx_hbm.at[pl.ds(base, rows_w)], idx_v)
        off = (wid // 8) * NP

        def addoff(i, _):
            sl = pl.ds(i * 16, 16)
            idx_v[sl] = idx_v[sl] + off
            return 0

        lax.fori_loop(0, rows_w // 16, addoff, 0)

        def chunk(c, _):
            s = c * ch
            pltpu.async_copy(tbl_hbm.at[idx_v.at[pl.ds(s, ch)]], buf,
                             sem).wait()
            pltpu.sync_copy(buf, out_hbm.at[pl.ds(base + s, ch)])
            return 0

        lax.fori_loop(0, n_ch, chunk, 0)

    return k



def _sums_body(raw_ref, ctr_ref, s1_ref, s2_ref):
    i = pl.program_id(0)
    rb = raw_ref.shape[0]
    d = raw_ref.shape[1]
    raw = raw_ref[...].reshape(rb // KK, KK, d)
    ctr = ctr_ref[...][:, None, :]
    diff = raw - ctr
    s1 = jnp.sum(diff)
    s2 = jnp.sum(diff * diff)

    @pl.when(i == 0)
    def _():
        s1_ref[0, 0] = jnp.float32(0.0)
        s2_ref[0, 0] = jnp.float32(0.0)

    s1_ref[0, 0] += s1
    s2_ref[0, 0] += s2


def _run_sums(raw, ctr, rb):
    n_rows, d = raw.shape
    grid = (n_rows // rb,)
    return pl.pallas_call(
        _sums_body,
        grid=grid,
        in_specs=[
            pl.BlockSpec((rb, d), lambda i: (i, 0)),
            pl.BlockSpec((rb // KK, d), lambda i: (i, 0)),
        ],
        out_specs=(pl.BlockSpec(memory_space=pltpu.SMEM),
                   pl.BlockSpec(memory_space=pltpu.SMEM)),
        out_shape=(jax.ShapeDtypeStruct((1, 1), jnp.float32),
                   jax.ShapeDtypeStruct((1, 1), jnp.float32)),
    )(raw, ctr)


def _normx_body(raw_ref, ctr_ref, inv_ref, out_ref):
    rb = raw_ref.shape[0]
    inv = inv_ref[0]
    raw = raw_ref[...].reshape(rb // KK, KK, DF)
    ctr = ctr_ref[...]
    ctr3 = ctr[:, None, :]
    nrm = ((raw - ctr3) * inv).reshape(rb, DF)
    rep = jnp.broadcast_to(ctr3, (rb // KK, KK, DF)).reshape(rb, DF)
    out_ref[:, 0:DF] = nrm
    out_ref[:, DF:2 * DF] = rep


def _run_normx(raw, ctr, inv, rb):
    n_rows = raw.shape[0]
    return pl.pallas_call(
        _normx_body,
        grid=(n_rows // rb,),
        in_specs=[
            pl.BlockSpec((rb, DF), lambda i: (i, 0)),
            pl.BlockSpec((rb // KK, DF), lambda i: (i, 0)),
            pl.BlockSpec(memory_space=pltpu.SMEM),
        ],
        out_specs=pl.BlockSpec((rb, 2 * DF), lambda i: (i, 0)),
        out_shape=jax.ShapeDtypeStruct((n_rows, 2 * DF), jnp.float32),
    )(raw, ctr, inv)


def _normxyz_body(raw_ref, ctr_ref, inv_ref, out_ref):
    rb = raw_ref.shape[0]
    inv = inv_ref[0]
    raw = raw_ref[...].reshape(rb // KK, KK, XP)
    ctr3 = ctr_ref[...][:, None, :]
    nrm = ((raw - ctr3) * inv).reshape(rb, XP)
    out_ref[...] = nrm[:, 0:3]


def _run_normxyz(raw, ctr, inv, rb):
    n_rows = raw.shape[0]
    return pl.pallas_call(
        _normxyz_body,
        grid=(n_rows // rb,),
        in_specs=[
            pl.BlockSpec((rb, XP), lambda i: (i, 0)),
            pl.BlockSpec((rb // KK, XP), lambda i: (i, 0)),
            pl.BlockSpec(memory_space=pltpu.SMEM),
        ],
        out_specs=pl.BlockSpec((rb, 3), lambda i: (i, 0)),
        out_shape=jax.ShapeDtypeStruct((n_rows, 3), jnp.float32),
    )(raw, ctr, inv)



def _std_from_sums(s1, s2, m):
    mean = s1[0, 0] / m
    var = (s2[0, 0] - m * mean * mean) / (m - 1.0)
    return jnp.sqrt(var)


def kernel(xyz, x):
    xyzr = jnp.transpose(xyz, (0, 2, 1))
    xyzr4 = xyzr.reshape(BB, 3, 8, NP // 8)

    fps_gb, lc3 = _run_fps(xyzr4)
    fps_i = jnp.transpose(fps_gb, (1, 0))
    lc_xyz = jnp.transpose(lc3, (2, 1, 0))
    lc3bg = jnp.transpose(lc3, (0, 2, 1)).reshape(3, BB * GG)

    knn_bkg = _run_knn(xyz, lc3bg)
    knn_idx = jnp.transpose(knn_bkg, (0, 2, 1))

    xall = x.reshape(BB * NP, DF)
    xyzp = jnp.pad(xyz, ((0, 0), (0, 0), (0, XP - 3))).reshape(BB * NP, XP)
    gidx = knn_idx.reshape(BB * GG * KK)
    fidx = fps_i.reshape(BB * GG)

    raw_x = _make_sc_gather(BB * GG * KK, DF, 128)(xall, gidx)
    lc_x = _make_sc_gather(BB * GG, DF, 128)(xall, fidx)
    raw_xyz = _make_sc_gather(BB * GG * KK, XP, 128)(xyzp, gidx)

    lc_xyzp = jnp.pad(lc_xyz, ((0, 0), (0, 0), (0, XP - 3))).reshape(
        BB * GG, XP)

    s1x, s2x = _run_sums(raw_x, lc_x, 2048)
    s1z, s2z = _run_sums(raw_xyz, lc_xyzp, 4096)

    m_x = float(BB * GG * KK * DF)
    m_z = float(BB * GG * KK * 3)
    inv_x = (1.0 / (_std_from_sums(s1x, s2x, m_x) + 1e-5)).reshape(1)
    inv_z = (1.0 / (_std_from_sums(s1z, s2z, m_z) + 1e-5)).reshape(1)

    knn_x = _run_normx(raw_x, lc_x, inv_x, 2048)
    knn_xyz = _run_normxyz(raw_xyz, lc_xyzp, inv_z, 4096)

    return (lc_xyz,
            lc_x.reshape(BB, GG, DF),
            knn_xyz.reshape(BB, GG, KK, 3),
            knn_x.reshape(BB, GG, KK, 2 * DF))

# --- scband reference (transcript-rebuilt; emitter-appended) ---
"""Pipeline reference for scband-local-grouper-21397527069034 (READ-ONLY COPY).

The authoritative reference and input builder live on the scoring server;
editing this copy changes nothing except your own understanding.
"""

import jax, jax.numpy as jnp
import numpy as np

GROUP_NUM = 1024
K_NEIGHBORS = 32


def setup_inputs(seed: int = 0) -> dict:
    key = jax.random.key(seed)
    k1, k2 = jax.random.split(key)
    xyz = jax.random.uniform(k1, (4, 8192, 3), dtype=jnp.float32)
    x = jax.random.normal(k2, (4, 8192, 256), dtype=jnp.float32)
    return {"xyz": xyz, "x": x}


def index_points(points, idx):
    # points: [B, N, C]; idx: [B, ...] int -> [B, ..., C]
    B = points.shape[0]
    b = jnp.arange(B).reshape((B,) + (1,) * (idx.ndim - 1))
    return points[b, idx]


def furthest_point_sample(xyz, n_samples):
    # Deterministic FPS starting at point 0 (torch CUDA kernel uses an arbitrary start).
    xyz = jax.lax.stop_gradient(xyz)
    B, N, _ = xyz.shape

    def step(carry, _):
        dists, farthest = carry
        centroid = jnp.take_along_axis(xyz, farthest[:, None, None], axis=1)  # [B,1,3]
        d = jnp.sum((xyz - centroid) ** 2, axis=-1)  # [B,N]
        dists = jnp.minimum(dists, d)
        nxt = jnp.argmax(dists, axis=-1).astype(jnp.int32)
        return (dists, nxt), farthest

    init = (jnp.full((B, N), 1e10, dtype=xyz.dtype), jnp.zeros((B,), dtype=jnp.int32))
    _, idxs = jax.lax.scan(step, init, None, length=n_samples)
    return jnp.transpose(idxs, (1, 0))  # [B, n_samples]


def square_distance(src, dst):
    # src: [B,G,3], dst: [B,N,3] -> [B,G,N]
    s2 = jnp.sum(src ** 2, axis=-1)[:, :, None]
    d2 = jnp.sum(dst ** 2, axis=-1)[:, None, :]
    cross = jnp.einsum('bgd,bnd->bgn', src, dst)
    return s2 + d2 - 2.0 * cross


def knn_point(k, xyz, new_xyz):
    sqrdists = square_distance(new_xyz, xyz)  # [B,G,N]
    _, idx = jax.lax.top_k(-sqrdists, k)  # k smallest distances
    return idx


def reference(xyz, x):
    fps_idx = furthest_point_sample(xyz, GROUP_NUM)        # [B,G]
    lc_xyz = index_points(xyz, fps_idx)                    # [B,G,3]
    lc_x = index_points(x, fps_idx)                        # [B,G,D]
    knn_idx = knn_point(K_NEIGHBORS, xyz, lc_xyz)          # [B,G,K]
    knn_xyz = index_points(xyz, knn_idx)                   # [B,G,K,3]
    knn_x = index_points(x, knn_idx)                       # [B,G,K,D]

    center_xyz = lc_xyz[:, :, None, :]
    std_xyz = jnp.std(knn_xyz - center_xyz, ddof=1)        # scalar, unbiased like torch.std
    knn_xyz = (knn_xyz - center_xyz) / (std_xyz + 1e-05)

    center_x = lc_x[:, :, None, :]
    std_x = jnp.std(knn_x - center_x, ddof=1)
    knn_x = (knn_x - center_x) / (std_x + 1e-05)

    b, g, k, _ = knn_x.shape
    rep = jnp.broadcast_to(lc_x[:, :, None, :], (b, g, k, lc_x.shape[-1]))
    knn_x = jnp.concatenate([knn_x, rep], axis=-1)         # [B,G,K,2D]
    return (lc_xyz, lc_x, knn_xyz, knn_x)

if __name__ == "__main__":
    import jax
    _d = setup_inputs()
    print(jax.jit(kernel)(*tuple(_d.values())))

</pallas_src>

<mosaic_0001>
#map = affine_map<(d0, d1) -> (0, 0)>
#map1 = affine_map<(d0, d1) -> (0)>
module attributes {stable_mosaic.version = 14 : i64} {
  func.func @k(%arg0: i32, %arg1: i32, %arg2: memref<32768x256xf32, #tpu.memory_space<hbm>>, %arg3: memref<131072xi32, #tpu.memory_space<hbm>>, %arg4: memref<131072x256xf32, #tpu.memory_space<hbm>>, %arg5: memref<4096xi32, #tpu.memory_space<vmem>>, %arg6: memref<128x256xf32, #tpu.memory_space<vmem>>, %arg7: memref<!tpu.dma_semaphore, #tpu.memory_space<semaphore_mem>>) attributes {dimension_semantics = [#tpu.dimension_semantics<core_parallel>, #tpu.dimension_semantics<subcore_parallel>], iteration_bounds = array<i64: 2, 16>, scalar_prefetch = 0 : i64, scratch_operands = 3 : i64, tpu.core_type = #tpu.core_type<sc_vector_subcore>, window_params = [{transform_indices = #map}, {transform_indices = #map1}, {transform_indices = #map}]} {
    %mul3A = arith.constant 2 : i32
    %mul3A_0 = arith.muli %arg1, %mul3A : i32
    %add3A = arith.addi %mul3A_0, %arg0 : i32
    %mul3A_1 = arith.constant 4096 : i32
    %mul3A_2 = arith.muli %add3A, %mul3A_1 : i32
    "tpu.region"() ({
      %run_scoped3A = tpu.sem_alloc : memref<!tpu.dma_semaphore, #tpu.memory_space<semaphore_mem>>
      %dma_start3A = tpu.memref_slice %arg3[%mul3A_2] : memref<131072xi32, #tpu.memory_space<hbm>> -> memref<4096xi32, #tpu.memory_space<hbm>>
      %dma_start3A_34 = tpu.memref_slice %arg3[%mul3A_2] : memref<131072xi32, #tpu.memory_space<hbm>> -> memref<4096xi32, #tpu.memory_space<hbm>>
      tpu.enqueue_dma source(%dma_start3A_34 : memref<4096xi32, #tpu.memory_space<hbm>>) target(%arg5 : memref<4096xi32, #tpu.memory_space<vmem>>) target_semaphore(%run_scoped3A : memref<!tpu.dma_semaphore, #tpu.memory_space<semaphore_mem>>)
      %dma_wait3A = tpu.memref_slice %arg3[%mul3A_2] : memref<131072xi32, #tpu.memory_space<hbm>> -> memref<4096xi32, #tpu.memory_space<hbm>>
      %dma_wait3A_35 = tpu.memref_slice %arg3[%mul3A_2] : memref<131072xi32, #tpu.memory_space<hbm>> -> memref<4096xi32, #tpu.memory_space<hbm>>
      tpu.wait_dma2 semaphore(%run_scoped3A : memref<!tpu.dma_semaphore, #tpu.memory_space<semaphore_mem>>) src(%dma_wait3A_35 : memref<4096xi32, #tpu.memory_space<hbm>>) dst(%arg5 : memref<4096xi32, #tpu.memory_space<vmem>>)
      tpu.yield
    }) : () -> ()
    %jit3A = arith.constant 8 : i32
    %div3A = arith.divsi %add3A, %jit3A : i32
    %sign3A = arith.constant 0 : i32
    %sign3A_3 = arith.cmpi sgt, %add3A, %sign3A : i32
    %sign3A_4 = arith.extui %sign3A_3 : i1 to i32
    %sign3A_5 = arith.constant 0 : i32
    %sign3A_6 = arith.cmpi slt, %add3A, %sign3A_5 : i32
    %sign3A_7 = arith.extui %sign3A_6 : i1 to i32
    %sign3A_8 = arith.subi %sign3A_4, %sign3A_7 : i32
    %sign3A_9 = arith.constant 0 : i32
    %sign3A_10 = arith.cmpi sgt, %jit3A, %sign3A_9 : i32
    %sign3A_11 = arith.extui %sign3A_10 : i1 to i32
    %sign3A_12 = arith.constant 0 : i32
    %sign3A_13 = arith.cmpi slt, %jit3A, %sign3A_12 : i32
    %sign3A_14 = arith.extui %sign3A_13 : i1 to i32
    %sign3A_15 = arith.subi %sign3A_11, %sign3A_14 : i32
    %ne3A = arith.cmpi ne, %sign3A_8, %sign3A_15 : i32
    %rem3A = arith.remsi %add3A, %jit3A : i32
    %ne3A_16 = arith.constant 0 : i32
    %ne3A_17 = arith.cmpi ne, %rem3A, %ne3A_16 : i32
    %and3A = arith.andi %ne3A, %ne3A_17 : i1
    %sub3A = arith.constant 1 : i32
    %sub3A_18 = arith.subi %div3A, %sub3A : i32
    %select_n3A = arith.select %and3A, %sub3A_18, %div3A : i32
    %mul3A_19 = arith.constant 8192 : i32
    %mul3A_20 = arith.muli %select_n3A, %mul3A_19 : i32
    %scan3A = arith.constant 0 : i32
    %scan3A_21 = arith.constant 0 : i32
    %scan3A_22 = arith.constant 256 : i32
    %scan3A_23 = arith.addi %scan3A_21, %scan3A_22 : i32
    %scan3A_24 = arith.constant 1 : i32
    %scan3A_25 = scf.for %scan3A_34 = %scan3A_21 to %scan3A_23 step %scan3A_24 iter_args(%scan3A_35 = %scan3A) -> (i32)  : i32 {
      %mul3A_36 = arith.constant 16 : i32
      %mul3A_37 = arith.muli %scan3A_34, %mul3A_36 : i32
      %get3A = arith.index_cast %mul3A_37 : i32 to index
      %get3A_38 = tpu.vector_load %arg5[%get3A] {strides = array<i32>} : memref<4096xi32, #tpu.memory_space<vmem>>, vector<16xi32>,
      %get3A_39 = vector.shape_cast %get3A_38 : vector<16xi32> to vector<16xi32>
      %add3A_40 = vector.broadcast %mul3A_20 : i32 to vector<16xi32>
      %add3A_41 = arith.addi %get3A_39, %add3A_40 : vector<16xi32>
      %swap3A = arith.index_cast %mul3A_37 : i32 to index
      %swap3A_42 = tpu.vector_load %arg5[%swap3A] {strides = array<i32>} : memref<4096xi32, #tpu.memory_space<vmem>>, vector<16xi32>,
      %swap3A_43 = vector.shape_cast %swap3A_42 : vector<16xi32> to vector<16xi32>
      %swap3A_44 = vector.shape_cast %add3A_41 : vector<16xi32> to vector<16xi32>
      tpu.vector_store %arg5[%swap3A], %swap3A_44 {strides = array<i32>} : memref<4096xi32, #tpu.memory_space<vmem>>, vector<16xi32>,
      %scan3A_45 = arith.constant 0 : i32
      scf.yield %scan3A_45 : i32
    }
    %scan3A_26 = arith.constant 256 : i32
    %scan3A_27 = arith.constant 0 : i32
    %scan3A_28 = arith.constant 0 : i32
    %scan3A_29 = arith.constant 32 : i32
    %scan3A_30 = arith.addi %scan3A_28, %scan3A_29 : i32
    %scan3A_31 = arith.constant 1 : i32
    %scan3A_32 = scf.for %scan3A_34 = %scan3A_28 to %scan3A_30 step %scan3A_31 iter_args(%scan3A_35 = %scan3A_27) -> (i32)  : i32 {
      %mul3A_36 = arith.constant 128 : i32
      %mul3A_37 = arith.muli %scan3A_34, %mul3A_36 : i32
      %dma_start3A = tpu.memref_slice %arg5[%mul3A_37] : memref<4096xi32, #tpu.memory_space<vmem>> -> memref<128xi32, #tpu.memory_space<vmem>>
      %dma_start3A_38 = arith.constant 0 : i32
      %dma_start3A_39 = arith.constant 0 : i32
      %dma_start3A_40 = tpu.memref_slice %arg2[%dma_start3A_38, %dma_start3A_39] : memref<32768x256xf32, #tpu.memory_space<hbm>> -> memref<32768x256xf32, #tpu.memory_space<hbm>>
      tpu.enqueue_indirect_dma source(%dma_start3A_40 : memref<32768x256xf32, #tpu.memory_space<hbm>>) target(%arg6 : memref<128x256xf32, #tpu.memory_space<vmem>>) offsets(%dma_start3A : memref<128xi32, #tpu.memory_space<vmem>>) semaphore(%arg7 : memref<!tpu.dma_semaphore, #tpu.memory_space<semaphore_mem>>)
      %dma_wait3A = tpu.memref_slice %arg5[%mul3A_37] : memref<4096xi32, #tpu.memory_space<vmem>> -> memref<128xi32, #tpu.memory_space<vmem>>
      %dma_wait3A_41 = arith.constant 0 : i32
      %dma_wait3A_42 = arith.constant 0 : i32
      %dma_wait3A_43 = tpu.memref_slice %arg2[%dma_wait3A_41, %dma_wait3A_42] : memref<32768x256xf32, #tpu.memory_space<hbm>> -> memref<32768x256xf32, #tpu.memory_space<hbm>>
      tpu.wait_indirect_dma semaphore(%arg7 : memref<!tpu.dma_semaphore, #tpu.memory_space<semaphore_mem>>) src(%dma_wait3A_43 : memref<32768x256xf32, #tpu.memory_space<hbm>>) dst(%arg6 : memref<128x256xf32, #tpu.memory_space<vmem>>)
      %add3A_44 = arith.addi %mul3A_2, %mul3A_37 : i32
      "tpu.region"() ({
        %run_scoped3A = tpu.sem_alloc : memref<!tpu.dma_semaphore, #tpu.memory_space<semaphore_mem>>
        %dma_start3A_46 = arith.constant 0 : i32
        %dma_start3A_47 = tpu.memref_slice %arg4[%add3A_44, %dma_start3A_46] : memref<131072x256xf32, #tpu.memory_space<hbm>> -> memref<128x256xf32, #tpu.memory_space<hbm>>
        %dma_start3A_48 = arith.constant 0 : i32
        %dma_start3A_49 = tpu.memref_slice %arg4[%add3A_44, %dma_start3A_48] : memref<131072x256xf32, #tpu.memory_space<hbm>> -> memref<128x256xf32, #tpu.memory_space<hbm>>
        tpu.enqueue_dma source(%arg6 : memref<128x256xf32, #tpu.memory_space<vmem>>) target(%dma_start3A_49 : memref<128x256xf32, #tpu.memory_space<hbm>>) target_semaphore(%run_scoped3A : memref<!tpu.dma_semaphore, #tpu.memory_space<semaphore_mem>>)
        %dma_wait3A_50 = arith.constant 0 : i32
        %dma_wait3A_51 = tpu.memref_slice %arg4[%add3A_44, %dma_wait3A_50] : memref<131072x256xf32, #tpu.memory_space<hbm>> -> memref<128x256xf32, #tpu.memory_space<hbm>>
        %dma_wait3A_52 = arith.constant 0 : i32
        %dma_wait3A_53 = tpu.memref_slice %arg4[%add3A_44, %dma_wait3A_52] : memref<131072x256xf32, #tpu.memory_space<hbm>> -> memref<128x256xf32, #tpu.memory_space<hbm>>
        tpu.wait_dma2 semaphore(%run_scoped3A : memref<!tpu.dma_semaphore, #tpu.memory_space<semaphore_mem>>) src(%arg6 : memref<128x256xf32, #tpu.memory_space<vmem>>) dst(%dma_wait3A_53 : memref<128x256xf32, #tpu.memory_space<hbm>>)
        tpu.yield
      }) : () -> ()
      %scan3A_45 = arith.constant 0 : i32
      scf.yield %scan3A_45 : i32
    }
    %scan3A_33 = arith.constant 32 : i32
    return
  }
}

#map = affine_map<(d0, d1) -> (0, 0)>
#map1 = affine_map<(d0, d1) -> (0)>
module attributes {stable_mosaic.version = 14 : i64} {
  func.func @k(%arg0: i32, %arg1: i32, %arg2: memref<32768x128xf32, #tpu.memory_space<hbm>>, %arg3: memref<131072xi32, #tpu.memory_space<hbm>>, %arg4: memref<131072x128xf32, #tpu.memory_space<hbm>>, %arg5: memref<4096xi32, #tpu.memory_space<vmem>>, %arg6: memref<128x128xf32, #tpu.memory_space<vmem>>, %arg7: memref<!tpu.dma_semaphore, #tpu.memory_space<semaphore_mem>>) attributes {dimension_semantics = [#tpu.dimension_semantics<core_parallel>, #tpu.dimension_semantics<subcore_parallel>], iteration_bounds = array<i64: 2, 16>, scalar_prefetch = 0 : i64, scratch_operands = 3 : i64, tpu.core_type = #tpu.core_type<sc_vector_subcore>, window_params = [{transform_indices = #map}, {transform_indices = #map1}, {transform_indices = #map}]} {
    %mul3A = arith.constant 2 : i32
    %mul3A_0 = arith.muli %arg1, %mul3A : i32
    %add3A = arith.addi %mul3A_0, %arg0 : i32
    %mul3A_1 = arith.constant 4096 : i32
    %mul3A_2 = arith.muli %add3A, %mul3A_1 : i32
    "tpu.region"() ({
      %run_scoped3A = tpu.sem_alloc : memref<!tpu.dma_semaphore, #tpu.memory_space<semaphore_mem>>
      %dma_start3A = tpu.memref_slice %arg3[%mul3A_2] : memref<131072xi32, #tpu.memory_space<hbm>> -> memref<4096xi32, #tpu.memory_space<hbm>>
      %dma_start3A_34 = tpu.memref_slice %arg3[%mul3A_2] : memref<131072xi32, #tpu.memory_space<hbm>> -> memref<4096xi32, #tpu.memory_space<hbm>>
      tpu.enqueue_dma source(%dma_start3A_34 : memref<4096xi32, #tpu.memory_space<hbm>>) target(%arg5 : memref<4096xi32, #tpu.memory_space<vmem>>) target_semaphore(%run_scoped3A : memref<!tpu.dma_semaphore, #tpu.memory_space<semaphore_mem>>)
      %dma_wait3A = tpu.memref_slice %arg3[%mul3A_2] : memref<131072xi32, #tpu.memory_space<hbm>> -> memref<4096xi32, #tpu.memory_space<hbm>>
      %dma_wait3A_35 = tpu.memref_slice %arg3[%mul3A_2] : memref<131072xi32, #tpu.memory_space<hbm>> -> memref<4096xi32, #tpu.memory_space<hbm>>
      tpu.wait_dma2 semaphore(%run_scoped3A : memref<!tpu.dma_semaphore, #tpu.memory_space<semaphore_mem>>) src(%dma_wait3A_35 : memref<4096xi32, #tpu.memory_space<hbm>>) dst(%arg5 : memref<4096xi32, #tpu.memory_space<vmem>>)
      tpu.yield
    }) : () -> ()
    %jit3A = arith.constant 8 : i32
    %div3A = arith.divsi %add3A, %jit3A : i32
    %sign3A = arith.constant 0 : i32
    %sign3A_3 = arith.cmpi sgt, %add3A, %sign3A : i32
    %sign3A_4 = arith.extui %sign3A_3 : i1 to i32
    %sign3A_5 = arith.constant 0 : i32
    %sign3A_6 = arith.cmpi slt, %add3A, %sign3A_5 : i32
    %sign3A_7 = arith.extui %sign3A_6 : i1 to i32
    %sign3A_8 = arith.subi %sign3A_4, %sign3A_7 : i32
    %sign3A_9 = arith.constant 0 : i32
    %sign3A_10 = arith.cmpi sgt, %jit3A, %sign3A_9 : i32
    %sign3A_11 = arith.extui %sign3A_10 : i1 to i32
    %sign3A_12 = arith.constant 0 : i32
    %sign3A_13 = arith.cmpi slt, %jit3A, %sign3A_12 : i32
    %sign3A_14 = arith.extui %sign3A_13 : i1 to i32
    %sign3A_15 = arith.subi %sign3A_11, %sign3A_14 : i32
    %ne3A = arith.cmpi ne, %sign3A_8, %sign3A_15 : i32
    %rem3A = arith.remsi %add3A, %jit3A : i32
    %ne3A_16 = arith.constant 0 : i32
    %ne3A_17 = arith.cmpi ne, %rem3A, %ne3A_16 : i32
    %and3A = arith.andi %ne3A, %ne3A_17 : i1
    %sub3A = arith.constant 1 : i32
    %sub3A_18 = arith.subi %div3A, %sub3A : i32
    %select_n3A = arith.select %and3A, %sub3A_18, %div3A : i32
    %mul3A_19 = arith.constant 8192 : i32
    %mul3A_20 = arith.muli %select_n3A, %mul3A_19 : i32
    %scan3A = arith.constant 0 : i32
    %scan3A_21 = arith.constant 0 : i32
    %scan3A_22 = arith.constant 256 : i32
    %scan3A_23 = arith.addi %scan3A_21, %scan3A_22 : i32
    %scan3A_24 = arith.constant 1 : i32
    %scan3A_25 = scf.for %scan3A_34 = %scan3A_21 to %scan3A_23 step %scan3A_24 iter_args(%scan3A_35 = %scan3A) -> (i32)  : i32 {
      %mul3A_36 = arith.constant 16 : i32
      %mul3A_37 = arith.muli %scan3A_34, %mul3A_36 : i32
      %get3A = arith.index_cast %mul3A_37 : i32 to index
      %get3A_38 = tpu.vector_load %arg5[%get3A] {strides = array<i32>} : memref<4096xi32, #tpu.memory_space<vmem>>, vector<16xi32>,
      %get3A_39 = vector.shape_cast %get3A_38 : vector<16xi32> to vector<16xi32>
      %add3A_40 = vector.broadcast %mul3A_20 : i32 to vector<16xi32>
      %add3A_41 = arith.addi %get3A_39, %add3A_40 : vector<16xi32>
      %swap3A = arith.index_cast %mul3A_37 : i32 to index
      %swap3A_42 = tpu.vector_load %arg5[%swap3A] {strides = array<i32>} : memref<4096xi32, #tpu.memory_space<vmem>>, vector<16xi32>,
      %swap3A_43 = vector.shape_cast %swap3A_42 : vector<16xi32> to vector<16xi32>
      %swap3A_44 = vector.shape_cast %add3A_41 : vector<16xi32> to vector<16xi32>
      tpu.vector_store %arg5[%swap3A], %swap3A_44 {strides = array<i32>} : memref<4096xi32, #tpu.memory_space<vmem>>, vector<16xi32>,
      %scan3A_45 = arith.constant 0 : i32
      scf.yield %scan3A_45 : i32
    }
    %scan3A_26 = arith.constant 256 : i32
    %scan3A_27 = arith.constant 0 : i32
    %scan3A_28 = arith.constant 0 : i32
    %scan3A_29 = arith.constant 32 : i32
    %scan3A_30 = arith.addi %scan3A_28, %scan3A_29 : i32
    %scan3A_31 = arith.constant 1 : i32
    %scan3A_32 = scf.for %scan3A_34 = %scan3A_28 to %scan3A_30 step %scan3A_31 iter_args(%scan3A_35 = %scan3A_27) -> (i32)  : i32 {
      %mul3A_36 = arith.constant 128 : i32
      %mul3A_37 = arith.muli %scan3A_34, %mul3A_36 : i32
      %dma_start3A = tpu.memref_slice %arg5[%mul3A_37] : memref<4096xi32, #tpu.memory_space<vmem>> -> memref<128xi32, #tpu.memory_space<vmem>>
      %dma_start3A_38 = arith.constant 0 : i32
      %dma_start3A_39 = arith.constant 0 : i32
      %dma_start3A_40 = tpu.memref_slice %arg2[%dma_start3A_38, %dma_start3A_39] : memref<32768x128xf32, #tpu.memory_space<hbm>> -> memref<32768x128xf32, #tpu.memory_space<hbm>>
      tpu.enqueue_indirect_dma source(%dma_start3A_40 : memref<32768x128xf32, #tpu.memory_space<hbm>>) target(%arg6 : memref<128x128xf32, #tpu.memory_space<vmem>>) offsets(%dma_start3A : memref<128xi32, #tpu.memory_space<vmem>>) semaphore(%arg7 : memref<!tpu.dma_semaphore, #tpu.memory_space<semaphore_mem>>)
      %dma_wait3A = tpu.memref_slice %arg5[%mul3A_37] : memref<4096xi32, #tpu.memory_space<vmem>> -> memref<128xi32, #tpu.memory_space<vmem>>
      %dma_wait3A_41 = arith.constant 0 : i32
      %dma_wait3A_42 = arith.constant 0 : i32
      %dma_wait3A_43 = tpu.memref_slice %arg2[%dma_wait3A_41, %dma_wait3A_42] : memref<32768x128xf32, #tpu.memory_space<hbm>> -> memref<32768x128xf32, #tpu.memory_space<hbm>>
      tpu.wait_indirect_dma semaphore(%arg7 : memref<!tpu.dma_semaphore, #tpu.memory_space<semaphore_mem>>) src(%dma_wait3A_43 : memref<32768x128xf32, #tpu.memory_space<hbm>>) dst(%arg6 : memref<128x128xf32, #tpu.memory_space<vmem>>)
      %add3A_44 = arith.addi %mul3A_2, %mul3A_37 : i32
      "tpu.region"() ({
        %run_scoped3A = tpu.sem_alloc : memref<!tpu.dma_semaphore, #tpu.memory_space<semaphore_mem>>
        %dma_start3A_46 = arith.constant 0 : i32
        %dma_start3A_47 = tpu.memref_slice %arg4[%add3A_44, %dma_start3A_46] : memref<131072x128xf32, #tpu.memory_space<hbm>> -> memref<128x128xf32, #tpu.memory_space<hbm>>
        %dma_start3A_48 = arith.constant 0 : i32
        %dma_start3A_49 = tpu.memref_slice %arg4[%add3A_44, %dma_start3A_48] : memref<131072x128xf32, #tpu.memory_space<hbm>> -> memref<128x128xf32, #tpu.memory_space<hbm>>
        tpu.enqueue_dma source(%arg6 : memref<128x128xf32, #tpu.memory_space<vmem>>) target(%dma_start3A_49 : memref<128x128xf32, #tpu.memory_space<hbm>>) target_semaphore(%run_scoped3A : memref<!tpu.dma_semaphore, #tpu.memory_space<semaphore_mem>>)
        %dma_wait3A_50 = arith.constant 0 : i32
        %dma_wait3A_51 = tpu.memref_slice %arg4[%add3A_44, %dma_wait3A_50] : memref<131072x128xf32, #tpu.memory_space<hbm>> -> memref<128x128xf32, #tpu.memory_space<hbm>>
        %dma_wait3A_52 = arith.constant 0 : i32
        %dma_wait3A_53 = tpu.memref_slice %arg4[%add3A_44, %dma_wait3A_52] : memref<131072x128xf32, #tpu.memory_space<hbm>> -> memref<128x128xf32, #tpu.memory_space<hbm>>
        tpu.wait_dma2 semaphore(%run_scoped3A : memref<!tpu.dma_semaphore, #tpu.memory_space<semaphore_mem>>) src(%arg6 : memref<128x128xf32, #tpu.memory_space<vmem>>) dst(%dma_wait3A_53 : memref<128x128xf32, #tpu.memory_space<hbm>>)
        tpu.yield
      }) : () -> ()
      %scan3A_45 = arith.constant 0 : i32
      scf.yield %scan3A_45 : i32
    }
    %scan3A_33 = arith.constant 32 : i32
    return
  }
}

#map = affine_map<(d0, d1) -> (0, 0)>
#map1 = affine_map<(d0, d1) -> (0)>
module attributes {stable_mosaic.version = 14 : i64} {
  func.func @k(%arg0: i32, %arg1: i32, %arg2: memref<32768x256xf32, #tpu.memory_space<hbm>>, %arg3: memref<4096xi32, #tpu.memory_space<hbm>>, %arg4: memref<4096x256xf32, #tpu.memory_space<hbm>>, %arg5: memref<128xi32, #tpu.memory_space<vmem>>, %arg6: memref<128x256xf32, #tpu.memory_space<vmem>>, %arg7: memref<!tpu.dma_semaphore, #tpu.memory_space<semaphore_mem>>) attributes {dimension_semantics = [#tpu.dimension_semantics<core_parallel>, #tpu.dimension_semantics<subcore_parallel>], iteration_bounds = array<i64: 2, 16>, scalar_prefetch = 0 : i64, scratch_operands = 3 : i64, tpu.core_type = #tpu.core_type<sc_vector_subcore>, window_params = [{transform_indices = #map}, {transform_indices = #map1}, {transform_indices = #map}]} {
    %mul3A = arith.constant 2 : i32
    %mul3A_0 = arith.muli %arg1, %mul3A : i32
    %add3A = arith.addi %mul3A_0, %arg0 : i32
    %mul3A_1 = arith.constant 128 : i32
    %mul3A_2 = arith.muli %add3A, %mul3A_1 : i32
    "tpu.region"() ({
      %run_scoped3A = tpu.sem_alloc : memref<!tpu.dma_semaphore, #tpu.memory_space<semaphore_mem>>
      %dma_start3A_40 = tpu.memref_slice %arg3[%mul3A_2] : memref<4096xi32, #tpu.memory_space<hbm>> -> memref<128xi32, #tpu.memory_space<hbm>>
      %dma_start3A_41 = tpu.memref_slice %arg3[%mul3A_2] : memref<4096xi32, #tpu.memory_space<hbm>> -> memref<128xi32, #tpu.memory_space<hbm>>
      tpu.enqueue_dma source(%dma_start3A_41 : memref<128xi32, #tpu.memory_space<hbm>>) target(%arg5 : memref<128xi32, #tpu.memory_space<vmem>>) target_semaphore(%run_scoped3A : memref<!tpu.dma_semaphore, #tpu.memory_space<semaphore_mem>>)
      %dma_wait3A_42 = tpu.memref_slice %arg3[%mul3A_2] : memref<4096xi32, #tpu.memory_space<hbm>> -> memref<128xi32, #tpu.memory_space<hbm>>
      %dma_wait3A_43 = tpu.memref_slice %arg3[%mul3A_2] : memref<4096xi32, #tpu.memory_space<hbm>> -> memref<128xi32, #tpu.memory_space<hbm>>
      tpu.wait_dma2 semaphore(%run_scoped3A : memref<!tpu.dma_semaphore, #tpu.memory_space<semaphore_mem>>) src(%dma_wait3A_43 : memref<128xi32, #tpu.memory_space<hbm>>) dst(%arg5 : memref<128xi32, #tpu.memory_space<vmem>>)
      tpu.yield
    }) : () -> ()
    %jit3A = arith.constant 8 : i32
    %div3A = arith.divsi %add3A, %jit3A : i32
    %sign3A = arith.constant 0 : i32
    %sign3A_3 = arith.cmpi sgt, %add3A, %sign3A : i32
    %sign3A_4 = arith.extui %sign3A_3 : i1 to i32
    %sign3A_5 = arith.constant 0 : i32
    %sign3A_6 = arith.cmpi slt, %add3A, %sign3A_5 : i32
    %sign3A_7 = arith.extui %sign3A_6 : i1 to i32
    %sign3A_8 = arith.subi %sign3A_4, %sign3A_7 : i32
    %sign3A_9 = arith.constant 0 : i32
    %sign3A_10 = arith.cmpi sgt, %jit3A, %sign3A_9 : i32
    %sign3A_11 = arith.extui %sign3A_10 : i1 to i32
    %sign3A_12 = arith.constant 0 : i32
    %sign3A_13 = arith.cmpi slt, %jit3A, %sign3A_12 : i32
    %sign3A_14 = arith.extui %sign3A_13 : i1 to i32
    %sign3A_15 = arith.subi %sign3A_11, %sign3A_14 : i32
    %ne3A = arith.cmpi ne, %sign3A_8, %sign3A_15 : i32
    %rem3A = arith.remsi %add3A, %jit3A : i32
    %ne3A_16 = arith.constant 0 : i32
    %ne3A_17 = arith.cmpi ne, %rem3A, %ne3A_16 : i32
    %and3A = arith.andi %ne3A, %ne3A_17 : i1
    %sub3A = arith.constant 1 : i32
    %sub3A_18 = arith.subi %div3A, %sub3A : i32
    %select_n3A = arith.select %and3A, %sub3A_18, %div3A : i32
    %mul3A_19 = arith.constant 8192 : i32
    %mul3A_20 = arith.muli %select_n3A, %mul3A_19 : i32
    %scan3A = arith.constant 0 : i32
    %scan3A_21 = arith.constant 0 : i32
    %scan3A_22 = arith.constant 8 : i32
    %scan3A_23 = arith.addi %scan3A_21, %scan3A_22 : i32
    %scan3A_24 = arith.constant 1 : i32
    %scan3A_25 = scf.for %scan3A_40 = %scan3A_21 to %scan3A_23 step %scan3A_24 iter_args(%scan3A_41 = %scan3A) -> (i32)  : i32 {
      %mul3A_42 = arith.constant 16 : i32
      %mul3A_43 = arith.muli %scan3A_40, %mul3A_42 : i32
      %get3A = arith.index_cast %mul3A_43 : i32 to index
      %get3A_44 = tpu.vector_load %arg5[%get3A] {strides = array<i32>} : memref<128xi32, #tpu.memory_space<vmem>>, vector<16xi32>,
      %get3A_45 = vector.shape_cast %get3A_44 : vector<16xi32> to vector<16xi32>
      %add3A_46 = vector.broadcast %mul3A_20 : i32 to vector<16xi32>
      %add3A_47 = arith.addi %get3A_45, %add3A_46 : vector<16xi32>
      %swap3A = arith.index_cast %mul3A_43 : i32 to index
      %swap3A_48 = tpu.vector_load %arg5[%swap3A] {strides = array<i32>} : memref<128xi32, #tpu.memory_space<vmem>>, vector<16xi32>,
      %swap3A_49 = vector.shape_cast %swap3A_48 : vector<16xi32> to vector<16xi32>
      %swap3A_50 = vector.shape_cast %add3A_47 : vector<16xi32> to vector<16xi32>
      tpu.vector_store %arg5[%swap3A], %swap3A_50 {strides = array<i32>} : memref<128xi32, #tpu.memory_space<vmem>>, vector<16xi32>,
      %scan3A_51 = arith.constant 0 : i32
      scf.yield %scan3A_51 : i32
    }
    %scan3A_26 = arith.constant 8 : i32
    %scan3A_27 = arith.constant 0 : i32
    %scan3A_28 = arith.constant 0 : i32
    %mul3A_29 = arith.constant 128 : i32
    %mul3A_30 = arith.muli %scan3A_28, %mul3A_29 : i32
    %dma_start3A = tpu.memref_slice %arg5[%mul3A_30] : memref<128xi32, #tpu.memory_space<vmem>> -> memref<128xi32, #tpu.memory_space<vmem>>
    %dma_start3A_31 = arith.constant 0 : i32
    %dma_start3A_32 = arith.constant 0 : i32
    %dma_start3A_33 = tpu.memref_slice %arg2[%dma_start3A_31, %dma_start3A_32] : memref<32768x256xf32, #tpu.memory_space<hbm>> -> memref<32768x256xf32, #tpu.memory_space<hbm>>
    tpu.enqueue_indirect_dma source(%dma_start3A_33 : memref<32768x256xf32, #tpu.memory_space<hbm>>) target(%arg6 : memref<128x256xf32, #tpu.memory_space<vmem>>) offsets(%dma_start3A : memref<128xi32, #tpu.memory_space<vmem>>) semaphore(%arg7 : memref<!tpu.dma_semaphore, #tpu.memory_space<semaphore_mem>>)
    %dma_wait3A = tpu.memref_slice %arg5[%mul3A_30] : memref<128xi32, #tpu.memory_space<vmem>> -> memref<128xi32, #tpu.memory_space<vmem>>
    %dma_wait3A_34 = arith.constant 0 : i32
    %dma_wait3A_35 = arith.constant 0 : i32
    %dma_wait3A_36 = tpu.memref_slice %arg2[%dma_wait3A_34, %dma_wait3A_35] : memref<32768x256xf32, #tpu.memory_space<hbm>> -> memref<32768x256xf32, #tpu.memory_space<hbm>>
    tpu.wait_indirect_dma semaphore(%arg7 : memref<!tpu.dma_semaphore, #tpu.memory_space<semaphore_mem>>) src(%dma_wait3A_36 : memref<32768x256xf32, #tpu.memory_space<hbm>>) dst(%arg6 : memref<128x256xf32, #tpu.memory_space<vmem>>)
    %add3A_37 = arith.addi %mul3A_2, %mul3A_30 : i32
    "tpu.region"() ({
      %run_scoped3A = tpu.sem_alloc : memref<!tpu.dma_semaphore, #tpu.memory_space<semaphore_mem>>
      %dma_start3A_40 = arith.constant 0 : i32
      %dma_start3A_41 = tpu.memref_slice %arg4[%add3A_37, %dma_start3A_40] : memref<4096x256xf32, #tpu.memory_space<hbm>> -> memref<128x256xf32, #tpu.memory_space<hbm>>
      %dma_start3A_42 = arith.constant 0 : i32
      %dma_start3A_43 = tpu.memref_slice %arg4[%add3A_37, %dma_start3A_42] : memref<4096x256xf32, #tpu.memory_space<hbm>> -> memref<128x256xf32, #tpu.memory_space<hbm>>
      tpu.enqueue_dma source(%arg6 : memref<128x256xf32, #tpu.memory_space<vmem>>) target(%dma_start3A_43 : memref<128x256xf32, #tpu.memory_space<hbm>>) target_semaphore(%run_scoped3A : memref<!tpu.dma_semaphore, #tpu.memory_space<semaphore_mem>>)
      %dma_wait3A_44 = arith.constant 0 : i32
      %dma_wait3A_45 = tpu.memref_slice %arg4[%add3A_37, %dma_wait3A_44] : memref<4096x256xf32, #tpu.memory_space<hbm>> -> memref<128x256xf32, #tpu.memory_space<hbm>>
      %dma_wait3A_46 = arith.constant 0 : i32
      %dma_wait3A_47 = tpu.memref_slice %arg4[%add3A_37, %dma_wait3A_46] : memref<4096x256xf32, #tpu.memory_space<hbm>> -> memref<128x256xf32, #tpu.memory_space<hbm>>
      tpu.wait_dma2 semaphore(%run_scoped3A : memref<!tpu.dma_semaphore, #tpu.memory_space<semaphore_mem>>) src(%arg6 : memref<128x256xf32, #tpu.memory_space<vmem>>) dst(%dma_wait3A_47 : memref<128x256xf32, #tpu.memory_space<hbm>>)
      tpu.yield
    }) : () -> ()
    %scan3A_38 = arith.constant 0 : i32
    %scan3A_39 = arith.constant 1 : i32
    return
  }
}

module attributes {stable_mosaic.version = 14 : i64} {
  func.func @_fps_body(%arg0: memref<4x3x8x1024xf32, #tpu.memory_space<vmem>>, %arg1: memref<1024x4xi32, #tpu.memory_space<vmem>>, %arg2: memref<3x1024x4xf32, #tpu.memory_space<vmem>>) attributes {dimension_semantics = [], scalar_prefetch = 0 : i64, scratch_operands = 0 : i64, tpu.core_type = #tpu.core_type<tc>} {
    %iota3A = tpu.iota {dimensions = array<i32: 0>} : vector<8x1024xi32>
    %iota3A_0 = tpu.iota {dimensions = array<i32: 1>} : vector<8x1024xi32>
    %mul3A = arith.constant 1024 : i32
    %mul3A_1 = vector.broadcast %mul3A : i32 to vector<8x1024xi32>
    %mul3A_2 = arith.muli %iota3A, %mul3A_1 : vector<8x1024xi32>
    %add3A = arith.addi %mul3A_2, %iota3A_0 : vector<8x1024xi32>
    %get3A = arith.constant 0 : index
    %get3A_3 = arith.constant 0 : index
    %get3A_4 = arith.constant 0 : index
    %get3A_5 = arith.constant 0 : index
    %get3A_6 = vector.load %arg0[%get3A, %get3A_3, %get3A_4, %get3A_5] : memref<4x3x8x1024xf32, #tpu.memory_space<vmem>>, vector<1x1x8x1024xf32>
    %get3A_7 = vector.shape_cast %get3A_6 : vector<1x1x8x1024xf32> to vector<8x1024xf32>
    %get3A_8 = arith.constant 0 : index
    %get3A_9 = arith.constant 1 : index
    %get3A_10 = arith.constant 0 : index
    %get3A_11 = arith.constant 0 : index
    %get3A_12 = vector.load %arg0[%get3A_8, %get3A_9, %get3A_10, %get3A_11] : memref<4x3x8x1024xf32, #tpu.memory_space<vmem>>, vector<1x1x8x1024xf32>
    %get3A_13 = vector.shape_cast %get3A_12 : vector<1x1x8x1024xf32> to vector<8x1024xf32>
    %get3A_14 = arith.constant 0 : index
    %get3A_15 = arith.constant 2 : index
    %get3A_16 = arith.constant 0 : index
    %get3A_17 = arith.constant 0 : index
    %get3A_18 = vector.load %arg0[%get3A_14, %get3A_15, %get3A_16, %get3A_17] : memref<4x3x8x1024xf32, #tpu.memory_space<vmem>>, vector<1x1x8x1024xf32>
    %get3A_19 = vector.shape_cast %get3A_18 : vector<1x1x8x1024xf32> to vector<8x1024xf32>
    %get3A_20 = arith.constant 1 : index
    %get3A_21 = arith.constant 0 : index
    %get3A_22 = arith.constant 0 : index
    %get3A_23 = arith.constant 0 : index
    %get3A_24 = vector.load %arg0[%get3A_20, %get3A_21, %get3A_22, %get3A_23] : memref<4x3x8x1024xf32, #tpu.memory_space<vmem>>, vector<1x1x8x1024xf32>
    %get3A_25 = vector.shape_cast %get3A_24 : vector<1x1x8x1024xf32> to vector<8x1024xf32>
    %get3A_26 = arith.constant 1 : index
    %get3A_27 = arith.constant 1 : index
    %get3A_28 = arith.constant 0 : index
    %get3A_29 = arith.constant 0 : index
    %get3A_30 = vector.load %arg0[%get3A_26, %get3A_27, %get3A_28, %get3A_29] : memref<4x3x8x1024xf32, #tpu.memory_space<vmem>>, vector<1x1x8x1024xf32>
    %get3A_31 = vector.shape_cast %get3A_30 : vector<1x1x8x1024xf32> to vector<8x1024xf32>
    %get3A_32 = arith.constant 1 : index
    %get3A_33 = arith.constant 2 : index
    %get3A_34 = arith.constant 0 : index
    %get3A_35 = arith.constant 0 : index
    %get3A_36 = vector.load %arg0[%get3A_32, %get3A_33, %get3A_34, %get3A_35] : memref<4x3x8x1024xf32, #tpu.memory_space<vmem>>, vector<1x1x8x1024xf32>
    %get3A_37 = vector.shape_cast %get3A_36 : vector<1x1x8x1024xf32> to vector<8x1024xf32>
    %get3A_38 = arith.constant 2 : index
    %get3A_39 = arith.constant 0 : index
    %get3A_40 = arith.constant 0 : index
    %get3A_41 = arith.constant 0 : index
    %get3A_42 = vector.load %arg0[%get3A_38, %get3A_39, %get3A_40, %get3A_41] : memref<4x3x8x1024xf32, #tpu.memory_space<vmem>>, vector<1x1x8x1024xf32>
    %get3A_43 = vector.shape_cast %get3A_42 : vector<1x1x8x1024xf32> to vector<8x1024xf32>
    %get3A_44 = arith.constant 2 : index
    %get3A_45 = arith.constant 1 : index
    %get3A_46 = arith.constant 0 : index
    %get3A_47 = arith.constant 0 : index
    %get3A_48 = vector.load %arg0[%get3A_44, %get3A_45, %get3A_46, %get3A_47] : memref<4x3x8x1024xf32, #tpu.memory_space<vmem>>, vector<1x1x8x1024xf32>
    %get3A_49 = vector.shape_cast %get3A_48 : vector<1x1x8x1024xf32> to vector<8x1024xf32>
    %get3A_50 = arith.constant 2 : index
    %get3A_51 = arith.constant 2 : index
    %get3A_52 = arith.constant 0 : index
    %get3A_53 = arith.constant 0 : index
    %get3A_54 = vector.load %arg0[%get3A_50, %get3A_51, %get3A_52, %get3A_53] : memref<4x3x8x1024xf32, #tpu.memory_space<vmem>>, vector<1x1x8x1024xf32>
    %get3A_55 = vector.shape_cast %get3A_54 : vector<1x1x8x1024xf32> to vector<8x1024xf32>
    %get3A_56 = arith.constant 3 : index
    %get3A_57 = arith.constant 0 : index
    %get3A_58 = arith.constant 0 : index
    %get3A_59 = arith.constant 0 : index
    %get3A_60 = vector.load %arg0[%get3A_56, %get3A_57, %get3A_58, %get3A_59] : memref<4x3x8x1024xf32, #tpu.memory_space<vmem>>, vector<1x1x8x1024xf32>
    %get3A_61 = vector.shape_cast %get3A_60 : vector<1x1x8x1024xf32> to vector<8x1024xf32>
    %get3A_62 = arith.constant 3 : index
    %get3A_63 = arith.constant 1 : index
    %get3A_64 = arith.constant 0 : index
    %get3A_65 = arith.constant 0 : index
    %get3A_66 = vector.load %arg0[%get3A_62, %get3A_63, %get3A_64, %get3A_65] : memref<4x3x8x1024xf32, #tpu.memory_space<vmem>>, vector<1x1x8x1024xf32>
    %get3A_67 = vector.shape_cast %get3A_66 : vector<1x1x8x1024xf32> to vector<8x1024xf32>
    %get3A_68 = arith.constant 3 : index
    %get3A_69 = arith.constant 2 : index
    %get3A_70 = arith.constant 0 : index
    %get3A_71 = arith.constant 0 : index
    %get3A_72 = vector.load %arg0[%get3A_68, %get3A_69, %get3A_70, %get3A_71] : memref<4x3x8x1024xf32, #tpu.memory_space<vmem>>, vector<1x1x8x1024xf32>
    %get3A_73 = vector.shape_cast %get3A_72 : vector<1x1x8x1024xf32> to vector<8x1024xf32>
    %broadcast_in_dim3A = arith.constant 1.000000e+10 : f32
    %broadcast_in_dim3A_74 = vector.broadcast %broadcast_in_dim3A : f32 to vector<8x1024xf32>
    %broadcast_in_dim3A_75 = arith.constant 1.000000e+10 : f32
    %broadcast_in_dim3A_76 = vector.broadcast %broadcast_in_dim3A_75 : f32 to vector<8x1024xf32>
    %broadcast_in_dim3A_77 = arith.constant 1.000000e+10 : f32
    %broadcast_in_dim3A_78 = vector.broadcast %broadcast_in_dim3A_77 : f32 to vector<8x1024xf32>
    %broadcast_in_dim3A_79 = arith.constant 1.000000e+10 : f32
    %broadcast_in_dim3A_80 = vector.broadcast %broadcast_in_dim3A_79 : f32 to vector<8x1024xf32>
    %broadcast_in_dim3A_81 = arith.constant 0 : i32
    %broadcast_in_dim3A_82 = vector.broadcast %broadcast_in_dim3A_81 : i32 to vector<1x1xi32>
    %broadcast_in_dim3A_83 = arith.constant 0 : i32
    %broadcast_in_dim3A_84 = vector.broadcast %broadcast_in_dim3A_83 : i32 to vector<1x1xi32>
    %broadcast_in_dim3A_85 = arith.constant 0 : i32
    %broadcast_in_dim3A_86 = vector.broadcast %broadcast_in_dim3A_85 : i32 to vector<1x1xi32>
    %broadcast_in_dim3A_87 = arith.constant 0 : i32
    %broadcast_in_dim3A_88 = vector.broadcast %broadcast_in_dim3A_87 : i32 to vector<1x1xi32>
    %scan3A = arith.constant 0 : i32
    %scan3A_89 = arith.constant 1024 : i32
    %scan3A_90 = arith.addi %scan3A, %scan3A_89 : i32
    %scan3A_91 = arith.constant 1 : i32
    %scan3A_92:8 = scf.for %scan3A_94 = %scan3A to %scan3A_90 step %scan3A_91 iter_args(%scan3A_95 = %broadcast_in_dim3A_74, %scan3A_96 = %broadcast_in_dim3A_76, %scan3A_97 = %broadcast_in_dim3A_78, %scan3A_98 = %broadcast_in_dim3A_80, %scan3A_99 = %broadcast_in_dim3A_82, %scan3A_100 = %broadcast_in_dim3A_84, %scan3A_101 = %broadcast_in_dim3A_86, %scan3A_102 = %broadcast_in_dim3A_88) -> (vector<8x1024xf32>, vector<8x1024xf32>, vector<8x1024xf32>, vector<8x1024xf32>, vector<1x1xi32>, vector<1x1xi32>, vector<1x1xi32>, vector<1x1xi32>)  : i32 {
      %eq3A = vector.broadcast %scan3A_99 : vector<1x1xi32> to vector<8x1024xi32>
      %eq3A_103 = arith.cmpi eq, %add3A, %eq3A : vector<8x1024xi32>
      %jit3A = arith.constant 0.000000e+00 : f32
      %broadcast_in_dim3A_104 = vector.broadcast %jit3A : f32 to vector<8x1024xf32>
      %select_n3A = arith.select %eq3A_103, %get3A_7, %broadcast_in_dim3A_104 : vector<8x1024xi1>, vector<8x1024xf32>
      %reduce_sum3A = vector.shape_cast %select_n3A : vector<8x1024xf32> to vector<1x8x1024xf32>
      %reduce_sum3A_105 = arith.constant dense<0.000000e+00> : vector<1xf32>
      %reduce_sum3A_106 = vector.multi_reduction <add>, %reduce_sum3A, %reduce_sum3A_105 [1, 2] : vector<1x8x1024xf32> to vector<1xf32>
      %reduce_sum3A_107 = vector.shape_cast %reduce_sum3A_106 : vector<1xf32> to vector<1x1x1xf32>
      %reduce_sum3A_108 = vector.extract %reduce_sum3A_107[0, 0, 0] : f32 from vector<1x1x1xf32>
      %broadcast_in_dim3A_109 = vector.broadcast %reduce_sum3A_108 : f32 to vector<1x1xf32>
      %jit3A_110 = arith.constant 0.000000e+00 : f32
      %broadcast_in_dim3A_111 = vector.broadcast %jit3A_110 : f32 to vector<8x1024xf32>
      %select_n3A_112 = arith.select %eq3A_103, %get3A_13, %broadcast_in_dim3A_111 : vector<8x1024xi1>, vector<8x1024xf32>
      %reduce_sum3A_113 = vector.shape_cast %select_n3A_112 : vector<8x1024xf32> to vector<1x8x1024xf32>
      %reduce_sum3A_114 = arith.constant dense<0.000000e+00> : vector<1xf32>
      %reduce_sum3A_115 = vector.multi_reduction <add>, %reduce_sum3A_113, %reduce_sum3A_114 [1, 2] : vector<1x8x1024xf32> to vector<1xf32>
      %reduce_sum3A_116 = vector.shape_cast %reduce_sum3A_115 : vector<1xf32> to vector<1x1x1xf32>
      %reduce_sum3A_117 = vector.extract %reduce_sum3A_116[0, 0, 0] : f32 from vector<1x1x1xf32>
      %broadcast_in_dim3A_118 = vector.broadcast %reduce_sum3A_117 : f32 to vector<1x1xf32>
      %jit3A_119 = arith.constant 0.000000e+00 : f32
      %broadcast_in_dim3A_120 = vector.broadcast %jit3A_119 : f32 to vector<8x1024xf32>
      %select_n3A_121 = arith.select %eq3A_103, %get3A_19, %broadcast_in_dim3A_120 : vector<8x1024xi1>, vector<8x1024xf32>
      %reduce_sum3A_122 = vector.shape_cast %select_n3A_121 : vector<8x1024xf32> to vector<1x8x1024xf32>
      %reduce_sum3A_123 = arith.constant dense<0.000000e+00> : vector<1xf32>
      %reduce_sum3A_124 = vector.multi_reduction <add>, %reduce_sum3A_122, %reduce_sum3A_123 [1, 2] : vector<1x8x1024xf32> to vector<1xf32>
      %reduce_sum3A_125 = vector.shape_cast %reduce_sum3A_124 : vector<1xf32> to vector<1x1x1xf32>
      %reduce_sum3A_126 = vector.extract %reduce_sum3A_125[0, 0, 0] : f32 from vector<1x1x1xf32>
      %broadcast_in_dim3A_127 = vector.broadcast %reduce_sum3A_126 : f32 to vector<1x1xf32>
      %swap3A = arith.index_cast %scan3A_94 : i32 to index
      %swap3A_128 = arith.constant 0 : index
      %swap3A_129 = vector.load %arg1[%swap3A, %swap3A_128] : memref<1024x4xi32, #tpu.memory_space<vmem>>, vector<1x1xi32>
      tpu.vector_store %arg1[%swap3A, %swap3A_128], %scan3A_99 {strides = array<i32>} : memref<1024x4xi32, #tpu.memory_space<vmem>>, vector<1x1xi32>,
      %swap3A_130 = arith.constant 0 : index
      %swap3A_131 = arith.index_cast %scan3A_94 : i32 to index
      %swap3A_132 = arith.constant 0 : index
      %swap3A_133 = vector.load %arg2[%swap3A_130, %swap3A_131, %swap3A_132] : memref<3x1024x4xf32, #tpu.memory_space<vmem>>, vector<1x1x1xf32>
      %swap3A_134 = vector.shape_cast %swap3A_133 : vector<1x1x1xf32> to vector<1x1xf32>
      %swap3A_135 = vector.shape_cast %broadcast_in_dim3A_109 : vector<1x1xf32> to vector<1x1x1xf32>
      tpu.vector_store %arg2[%swap3A_130, %swap3A_131, %swap3A_132], %swap3A_135 {strides = array<i32>} : memref<3x1024x4xf32, #tpu.memory_space<vmem>>, vector<1x1x1xf32>,
      %swap3A_136 = arith.constant 1 : index
      %swap3A_137 = arith.index_cast %scan3A_94 : i32 to index
      %swap3A_138 = arith.constant 0 : index
      %swap3A_139 = vector.load %arg2[%swap3A_136, %swap3A_137, %swap3A_138] : memref<3x1024x4xf32, #tpu.memory_space<vmem>>, vector<1x1x1xf32>
      %swap3A_140 = vector.shape_cast %swap3A_139 : vector<1x1x1xf32> to vector<1x1xf32>
      %swap3A_141 = vector.shape_cast %broadcast_in_dim3A_118 : vector<1x1xf32> to vector<1x1x1xf32>
      tpu.vector_store %arg2[%swap3A_136, %swap3A_137, %swap3A_138], %swap3A_141 {strides = array<i32>} : memref<3x1024x4xf32, #tpu.memory_space<vmem>>, vector<1x1x1xf32>,
      %swap3A_142 = arith.constant 2 : index
      %swap3A_143 = arith.index_cast %scan3A_94 : i32 to index
      %swap3A_144 = arith.constant 0 : index
      %swap3A_145 = vector.load %arg2[%swap3A_142, %swap3A_143, %swap3A_144] : memref<3x1024x4xf32, #tpu.memory_space<vmem>>, vector<1x1x1xf32>
      %swap3A_146 = vector.shape_cast %swap3A_145 : vector<1x1x1xf32> to vector<1x1xf32>
      %swap3A_147 = vector.shape_cast %broadcast_in_dim3A_127 : vector<1x1xf32> to vector<1x1x1xf32>
      tpu.vector_store %arg2[%swap3A_142, %swap3A_143, %swap3A_144], %swap3A_147 {strides = array<i32>} : memref<3x1024x4xf32, #tpu.memory_space<vmem>>, vector<1x1x1xf32>,
      %sub3A = vector.broadcast %broadcast_in_dim3A_109 : vector<1x1xf32> to vector<8x1024xf32>
      %sub3A_148 = arith.subf %get3A_7, %sub3A : vector<8x1024xf32>
      %sub3A_149 = vector.broadcast %broadcast_in_dim3A_118 : vector<1x1xf32> to vector<8x1024xf32>
      %sub3A_150 = arith.subf %get3A_13, %sub3A_149 : vector<8x1024xf32>
      %sub3A_151 = vector.broadcast %broadcast_in_dim3A_127 : vector<1x1xf32> to vector<8x1024xf32>
      %sub3A_152 = arith.subf %get3A_19, %sub3A_151 : vector<8x1024xf32>
      %mul3A_153 = arith.mulf %sub3A_148, %sub3A_148 : vector<8x1024xf32>
      %mul3A_154 = arith.mulf %sub3A_150, %sub3A_150 : vector<8x1024xf32>
      %add3A_155 = arith.addf %mul3A_153, %mul3A_154 : vector<8x1024xf32>
      %mul3A_156 = arith.mulf %sub3A_152, %sub3A_152 : vector<8x1024xf32>
      %add3A_157 = arith.addf %add3A_155, %mul3A_156 : vector<8x1024xf32>
      %min3A = arith.minimumf %scan3A_95, %add3A_157 : vector<8x1024xf32>
      %reduce_max3A = vector.shape_cast %min3A : vector<8x1024xf32> to vector<1x8x1024xf32>
      %reduce_max3A_158 = arith.constant dense<0xFF800000> : vector<1xf32>
      %reduce_max3A_159 = vector.multi_reduction <maximumf>, %reduce_max3A, %reduce_max3A_158 [1, 2] : vector<1x8x1024xf32> to vector<1xf32>
      %reduce_max3A_160 = vector.shape_cast %reduce_max3A_159 : vector<1xf32> to vector<1x1x1xf32>
      %reduce_max3A_161 = vector.extract %reduce_max3A_160[0, 0, 0] : f32 from vector<1x1x1xf32>
      %broadcast_in_dim3A_162 = vector.broadcast %reduce_max3A_161 : f32 to vector<1x1xf32>
      %eq3A_163 = vector.broadcast %broadcast_in_dim3A_162 : vector<1x1xf32> to vector<8x1024xf32>
      %eq3A_164 = arith.cmpf oeq, %min3A, %eq3A_163 : vector<8x1024xf32>
      %jit3A_165 = arith.constant 1073741824 : i32
      %broadcast_in_dim3A_166 = vector.broadcast %jit3A_165 : i32 to vector<8x1024xi32>
      %select_n3A_167 = arith.select %eq3A_164, %add3A, %broadcast_in_dim3A_166 : vector<8x1024xi1>, vector<8x1024xi32>
      %reduce_min3A = vector.shape_cast %select_n3A_167 : vector<8x1024xi32> to vector<1x8x1024xi32>
      %reduce_min3A_168 = arith.constant dense<2147483647> : vector<1xi32>
      %reduce_min3A_169 = vector.multi_reduction <minsi>, %reduce_min3A, %reduce_min3A_168 [1, 2] : vector<1x8x1024xi32> to vector<1xi32>
      %reduce_min3A_170 = vector.shape_cast %reduce_min3A_169 : vector<1xi32> to vector<1x1x1xi32>
      %reduce_min3A_171 = vector.extract %reduce_min3A_170[0, 0, 0] : i32 from vector<1x1x1xi32>
      %broadcast_in_dim3A_172 = vector.broadcast %reduce_min3A_171 : i32 to vector<1x1xi32>
      %eq3A_173 = vector.broadcast %scan3A_100 : vector<1x1xi32> to vector<8x1024xi32>
      %eq3A_174 = arith.cmpi eq, %add3A, %eq3A_173 : vector<8x1024xi32>
      %jit3A_175 = arith.constant 0.000000e+00 : f32
      %broadcast_in_dim3A_176 = vector.broadcast %jit3A_175 : f32 to vector<8x1024xf32>
      %select_n3A_177 = arith.select %eq3A_174, %get3A_25, %broadcast_in_dim3A_176 : vector<8x1024xi1>, vector<8x1024xf32>
      %reduce_sum3A_178 = vector.shape_cast %select_n3A_177 : vector<8x1024xf32> to vector<1x8x1024xf32>
      %reduce_sum3A_179 = arith.constant dense<0.000000e+00> : vector<1xf32>
      %reduce_sum3A_180 = vector.multi_reduction <add>, %reduce_sum3A_178, %reduce_sum3A_179 [1, 2] : vector<1x8x1024xf32> to vector<1xf32>
      %reduce_sum3A_181 = vector.shape_cast %reduce_sum3A_180 : vector<1xf32> to vector<1x1x1xf32>
      %reduce_sum3A_182 = vector.extract %reduce_sum3A_181[0, 0, 0] : f32 from vector<1x1x1xf32>
      %broadcast_in_dim3A_183 = vector.broadcast %reduce_sum3A_182 : f32 to vector<1x1xf32>
      %jit3A_184 = arith.constant 0.000000e+00 : f32
      %broadcast_in_dim3A_185 = vector.broadcast %jit3A_184 : f32 to vector<8x1024xf32>
      %select_n3A_186 = arith.select %eq3A_174, %get3A_31, %broadcast_in_dim3A_185 : vector<8x1024xi1>, vector<8x1024xf32>
      %reduce_sum3A_187 = vector.shape_cast %select_n3A_186 : vector<8x1024xf32> to vector<1x8x1024xf32>
      %reduce_sum3A_188 = arith.constant dense<0.000000e+00> : vector<1xf32>
      %reduce_sum3A_189 = vector.multi_reduction <add>, %reduce_sum3A_187, %reduce_sum3A_188 [1, 2] : vector<1x8x1024xf32> to vector<1xf32>
      %reduce_sum3A_190 = vector.shape_cast %reduce_sum3A_189 : vector<1xf32> to vector<1x1x1xf32>
      %reduce_sum3A_191 = vector.extract %reduce_sum3A_190[0, 0, 0] : f32 from vector<1x1x1xf32>
      %broadcast_in_dim3A_192 = vector.broadcast %reduce_sum3A_191 : f32 to vector<1x1xf32>
      %jit3A_193 = arith.constant 0.000000e+00 : f32
      %broadcast_in_dim3A_194 = vector.broadcast %jit3A_193 : f32 to vector<8x1024xf32>
      %select_n3A_195 = arith.select %eq3A_174, %get3A_37, %broadcast_in_dim3A_194 : vector<8x1024xi1>, vector<8x1024xf32>
      %reduce_sum3A_196 = vector.shape_cast %select_n3A_195 : vector<8x1024xf32> to vector<1x8x1024xf32>
      %reduce_sum3A_197 = arith.constant dense<0.000000e+00> : vector<1xf32>
      %reduce_sum3A_198 = vector.multi_reduction <add>, %reduce_sum3A_196, %reduce_sum3A_197 [1, 2] : vector<1x8x1024xf32> to vector<1xf32>
      %reduce_sum3A_199 = vector.shape_cast %reduce_sum3A_198 : vector<1xf32> to vector<1x1x1xf32>
      %reduce_sum3A_200 = vector.extract %reduce_sum3A_199[0, 0, 0] : f32 from vector<1x1x1xf32>
      %broadcast_in_dim3A_201 = vector.broadcast %reduce_sum3A_200 : f32 to vector<1x1xf32>
      %swap3A_202 = arith.index_cast %scan3A_94 : i32 to index
      %swap3A_203 = arith.constant 1 : index
      %swap3A_204 = vector.load %arg1[%swap3A_202, %swap3A_203] : memref<1024x4xi32, #tpu.memory_space<vmem>>, vector<1x1xi32>
      tpu.vector_store %arg1[%swap3A_202, %swap3A_203], %scan3A_100 {strides = array<i32>} : memref<1024x4xi32, #tpu.memory_space<vmem>>, vector<1x1xi32>,
      %swap3A_205 = arith.constant 0 : index
      %swap3A_206 = arith.index_cast %scan3A_94 : i32 to index
      %swap3A_207 = arith.constant 1 : index
      %swap3A_208 = vector.load %arg2[%swap3A_205, %swap3A_206, %swap3A_207] : memref<3x1024x4xf32, #tpu.memory_space<vmem>>, vector<1x1x1xf32>
      %swap3A_209 = vector.shape_cast %swap3A_208 : vector<1x1x1xf32> to vector<1x1xf32>
      %swap3A_210 = vector.shape_cast %broadcast_in_dim3A_183 : vector<1x1xf32> to vector<1x1x1xf32>
      tpu.vector_store %arg2[%swap3A_205, %swap3A_206, %swap3A_207], %swap3A_210 {strides = array<i32>} : memref<3x1024x4xf32, #tpu.memory_space<vmem>>, vector<1x1x1xf32>,
      %swap3A_211 = arith.constant 1 : index
      %swap3A_212 = arith.index_cast %scan3A_94 : i32 to index
      %swap3A_213 = arith.constant 1 : index
      %swap3A_214 = vector.load %arg2[%swap3A_211, %swap3A_212, %swap3A_213] : memref<3x1024x4xf32, #tpu.memory_space<vmem>>, vector<1x1x1xf32>
      %swap3A_215 = vector.shape_cast %swap3A_214 : vector<1x1x1xf32> to vector<1x1xf32>
      %swap3A_216 = vector.shape_cast %broadcast_in_dim3A_192 : vector<1x1xf32> to vector<1x1x1xf32>
      tpu.vector_store %arg2[%swap3A_211, %swap3A_212, %swap3A_213], %swap3A_216 {strides = array<i32>} : memref<3x1024x4xf32, #tpu.memory_space<vmem>>, vector<1x1x1xf32>,
      %swap3A_217 = arith.constant 2 : index
      %swap3A_218 = arith.index_cast %scan3A_94 : i32 to index
      %swap3A_219 = arith.constant 1 : index
      %swap3A_220 = vector.load %arg2[%swap3A_217, %swap3A_218, %swap3A_219] : memref<3x1024x4xf32, #tpu.memory_space<vmem>>, vector<1x1x1xf32>
      %swap3A_221 = vector.shape_cast %swap3A_220 : vector<1x1x1xf32> to vector<1x1xf32>
      %swap3A_222 = vector.shape_cast %broadcast_in_dim3A_201 : vector<1x1xf32> to vector<1x1x1xf32>
      tpu.vector_store %arg2[%swap3A_217, %swap3A_218, %swap3A_219], %swap3A_222 {strides = array<i32>} : memref<3x1024x4xf32, #tpu.memory_space<vmem>>, vector<1x1x1xf32>,
      %sub3A_223 = vector.broadcast %broadcast_in_dim3A_183 : vector<1x1xf32> to vector<8x1024xf32>
      %sub3A_224 = arith.subf %get3A_25, %sub3A_223 : vector<8x1024xf32>
      %sub3A_225 = vector.broadcast %broadcast_in_dim3A_192 : vector<1x1xf32> to vector<8x1024xf32>
      %sub3A_226 = arith.subf %get3A_31, %sub3A_225 : vector<8x1024xf32>
      %sub3A_227 = vector.broadcast %broadcast_in_dim3A_201 : vector<1x1xf32> to vector<8x1024xf32>
      %sub3A_228 = arith.subf %get3A_37, %sub3A_227 : vector<8x1024xf32>
      %mul3A_229 = arith.mulf %sub3A_224, %sub3A_224 : vector<8x1024xf32>
      %mul3A_230 = arith.mulf %sub3A_226, %sub3A_226 : vector<8x1024xf32>
      %add3A_231 = arith.addf %mul3A_229, %mul3A_230 : vector<8x1024xf32>
      %mul3A_232 = arith.mulf %sub3A_228, %sub3A_228 : vector<8x1024xf32>
      %add3A_233 = arith.addf %add3A_231, %mul3A_232 : vector<8x1024xf32>
      %min3A_234 = arith.minimumf %scan3A_96, %add3A_233 : vector<8x1024xf32>
      %reduce_max3A_235 = vector.shape_cast %min3A_234 : vector<8x1024xf32> to vector<1x8x1024xf32>
      %reduce_max3A_236 = arith.constant dense<0xFF800000> : vector<1xf32>
      %reduce_max3A_237 = vector.multi_reduction <maximumf>, %reduce_max3A_235, %reduce_max3A_236 [1, 2] : vector<1x8x1024xf32> to vector<1xf32>
      %reduce_max3A_238 = vector.shape_cast %reduce_max3A_237 : vector<1xf32> to vector<1x1x1xf32>
      %reduce_max3A_239 = vector.extract %reduce_max3A_238[0, 0, 0] : f32 from vector<1x1x1xf32>
      %broadcast_in_dim3A_240 = vector.broadcast %reduce_max3A_239 : f32 to vector<1x1xf32>
      %eq3A_241 = vector.broadcast %broadcast_in_dim3A_240 : vector<1x1xf32> to vector<8x1024xf32>
      %eq3A_242 = arith.cmpf oeq, %min3A_234, %eq3A_241 : vector<8x1024xf32>
      %jit3A_243 = arith.constant 1073741824 : i32
      %broadcast_in_dim3A_244 = vector.broadcast %jit3A_243 : i32 to vector<8x1024xi32>
      %select_n3A_245 = arith.select %eq3A_242, %add3A, %broadcast_in_dim3A_244 : vector<8x1024xi1>, vector<8x1024xi32>
      %reduce_min3A_246 = vector.shape_cast %select_n3A_245 : vector<8x1024xi32> to vector<1x8x1024xi32>
      %reduce_min3A_247 = arith.constant dense<2147483647> : vector<1xi32>
      %reduce_min3A_248 = vector.multi_reduction <minsi>, %reduce_min3A_246, %reduce_min3A_247 [1, 2] : vector<1x8x1024xi32> to vector<1xi32>
      %reduce_min3A_249 = vector.shape_cast %reduce_min3A_248 : vector<1xi32> to vector<1x1x1xi32>
      %reduce_min3A_250 = vector.extract %reduce_min3A_249[0, 0, 0] : i32 from vector<1x1x1xi32>
      %broadcast_in_dim3A_251 = vector.broadcast %reduce_min3A_250 : i32 to vector<1x1xi32>
      %eq3A_252 = vector.broadcast %scan3A_101 : vector<1x1xi32> to vector<8x1024xi32>
      %eq3A_253 = arith.cmpi eq, %add3A, %eq3A_252 : vector<8x1024xi32>
      %jit3A_254 = arith.constant 0.000000e+00 : f32
      %broadcast_in_dim3A_255 = vector.broadcast %jit3A_254 : f32 to vector<8x1024xf32>
      %select_n3A_256 = arith.select %eq3A_253, %get3A_43, %broadcast_in_dim3A_255 : vector<8x1024xi1>, vector<8x1024xf32>
      %reduce_sum3A_257 = vector.shape_cast %select_n3A_256 : vector<8x1024xf32> to vector<1x8x1024xf32>
      %reduce_sum3A_258 = arith.constant dense<0.000000e+00> : vector<1xf32>
      %reduce_sum3A_259 = vector.multi_reduction <add>, %reduce_sum3A_257, %reduce_sum3A_258 [1, 2] : vector<1x8x1024xf32> to vector<1xf32>
      %reduce_sum3A_260 = vector.shape_cast %reduce_sum3A_259 : vector<1xf32> to vector<1x1x1xf32>
      %reduce_sum3A_261 = vector.extract %reduce_sum3A_260[0, 0, 0] : f32 from vector<1x1x1xf32>
      %broadcast_in_dim3A_262 = vector.broadcast %reduce_sum3A_261 : f32 to vector<1x1xf32>
      %jit3A_263 = arith.constant 0.000000e+00 : f32
      %broadcast_in_dim3A_264 = vector.broadcast %jit3A_263 : f32 to vector<8x1024xf32>
      %select_n3A_265 = arith.select %eq3A_253, %get3A_49, %broadcast_in_dim3A_264 : vector<8x1024xi1>, vector<8x1024xf32>
      %reduce_sum3A_266 = vector.shape_cast %select_n3A_265 : vector<8x1024xf32> to vector<1x8x1024xf32>
      %reduce_sum3A_267 = arith.constant dense<0.000000e+00> : vector<1xf32>
      %reduce_sum3A_268 = vector.multi_reduction <add>, %reduce_sum3A_266, %reduce_sum3A_267 [1, 2] : vector<1x8x1024xf32> to vector<1xf32>
      %reduce_sum3A_269 = vector.shape_cast %reduce_sum3A_268 : vector<1xf32> to vector<1x1x1xf32>
      %reduce_sum3A_270 = vector.extract %reduce_sum3A_269[0, 0, 0] : f32 from vector<1x1x1xf32>
      %broadcast_in_dim3A_271 = vector.broadcast %reduce_sum3A_270 : f32 to vector<1x1xf32>
      %jit3A_272 = arith.constant 0.000000e+00 : f32
      %broadcast_in_dim3A_273 = vector.broadcast %jit3A_272 : f32 to vector<8x1024xf32>
      %select_n3A_274 = arith.select %eq3A_253, %get3A_55, %broadcast_in_dim3A_273 : vector<8x1024xi1>, vector<8x1024xf32>
      %reduce_sum3A_275 = vector.shape_cast %select_n3A_274 : vector<8x1024xf32> to vector<1x8x1024xf32>
      %reduce_sum3A_276 = arith.constant dense<0.000000e+00> : vector<1xf32>
      %reduce_sum3A_277 = vector.multi_reduction <add>, %reduce_sum3A_275, %reduce_sum3A_276 [1, 2] : vector<1x8x1024xf32> to vector<1xf32>
      %reduce_sum3A_278 = vector.shape_cast %reduce_sum3A_277 : vector<1xf32> to vector<1x1x1xf32>
      %reduce_sum3A_279 = vector.extract %reduce_sum3A_278[0, 0, 0] : f32 from vector<1x1x1xf32>
      %broadcast_in_dim3A_280 = vector.broadcast %reduce_sum3A_279 : f32 to vector<1x1xf32>
      %swap3A_281 = arith.index_cast %scan3A_94 : i32 to index
      %swap3A_282 = arith.constant 2 : index
      %swap3A_283 = vector.load %arg1[%swap3A_281, %swap3A_282] : memref<1024x4xi32, #tpu.memory_space<vmem>>, vector<1x1xi32>
      tpu.vector_store %arg1[%swap3A_281, %swap3A_282], %scan3A_101 {strides = array<i32>} : memref<1024x4xi32, #tpu.memory_space<vmem>>, vector<1x1xi32>,
      %swap3A_284 = arith.constant 0 : index
      %swap3A_285 = arith.index_cast %scan3A_94 : i32 to index
      %swap3A_286 = arith.constant 2 : index
      %swap3A_287 = vector.load %arg2[%swap3A_284, %swap3A_285, %swap3A_286] : memref<3x1024x4xf32, #tpu.memory_space<vmem>>, vector<1x1x1xf32>
      %swap3A_288 = vector.shape_cast %swap3A_287 : vector<1x1x1xf32> to vector<1x1xf32>
      %swap3A_289 = vector.shape_cast %broadcast_in_dim3A_262 : vector<1x1xf32> to vector<1x1x1xf32>
      tpu.vector_store %arg2[%swap3A_284, %swap3A_285, %swap3A_286], %swap3A_289 {strides = array<i32>} : memref<3x1024x4xf32, #tpu.memory_space<vmem>>, vector<1x1x1xf32>,
      %swap3A_290 = arith.constant 1 : index
      %swap3A_291 = arith.index_cast %scan3A_94 : i32 to index
      %swap3A_292 = arith.constant 2 : index
      %swap3A_293 = vector.load %arg2[%swap3A_290, %swap3A_291, %swap3A_292] : memref<3x1024x4xf32, #tpu.memory_space<vmem>>, vector<1x1x1xf32>
      %swap3A_294 = vector.shape_cast %swap3A_293 : vector<1x1x1xf32> to vector<1x1xf32>
      %swap3A_295 = vector.shape_cast %broadcast_in_dim3A_271 : vector<1x1xf32> to vector<1x1x1xf32>
      tpu.vector_store %arg2[%swap3A_290, %swap3A_291, %swap3A_292], %swap3A_295 {strides = array<i32>} : memref<3x1024x4xf32, #tpu.memory_space<vmem>>, vector<1x1x1xf32>,
      %swap3A_296 = arith.constant 2 : index
      %swap3A_297 = arith.index_cast %scan3A_94 : i32 to index
      %swap3A_298 = arith.constant 2 : index
      %swap3A_299 = vector.load %arg2[%swap3A_296, %swap3A_297, %swap3A_298] : memref<3x1024x4xf32, #tpu.memory_space<vmem>>, vector<1x1x1xf32>
      %swap3A_300 = vector.shape_cast %swap3A_299 : vector<1x1x1xf32> to vector<1x1xf32>
      %swap3A_301 = vector.shape_cast %broadcast_in_dim3A_280 : vector<1x1xf32> to vector<1x1x1xf32>
      tpu.vector_store %arg2[%swap3A_296, %swap3A_297, %swap3A_298], %swap3A_301 {strides = array<i32>} : memref<3x1024x4xf32, #tpu.memory_space<vmem>>, vector<1x1x1xf32>,
      %sub3A_302 = vector.broadcast %broadcast_in_dim3A_262 : vector<1x1xf32> to vector<8x1024xf32>
      %sub3A_303 = arith.subf %get3A_43, %sub3A_302 : vector<8x1024xf32>
      %sub3A_304 = vector.broadcast %broadcast_in_dim3A_271 : vector<1x1xf32> to vector<8x1024xf32>
      %sub3A_305 = arith.subf %get3A_49, %sub3A_304 : vector<8x1024xf32>
      %sub3A_306 = vector.broadcast %broadcast_in_dim3A_280 : vector<1x1xf32> to vector<8x1024xf32>
      %sub3A_307 = arith.subf %get3A_55, %sub3A_306 : vector<8x1024xf32>
      %mul3A_308 = arith.mulf %sub3A_303, %sub3A_303 : vector<8x1024xf32>
      %mul3A_309 = arith.mulf %sub3A_305, %sub3A_305 : vector<8x1024xf32>
      %add3A_310 = arith.addf %mul3A_308, %mul3A_309 : vector<8x1024xf32>
      %mul3A_311 = arith.mulf %sub3A_307, %sub3A_307 : vector<8x1024xf32>
      %add3A_312 = arith.addf %add3A_310, %mul3A_311 : vector<8x1024xf32>
      %min3A_313 = arith.minimumf %scan3A_97, %add3A_312 : vector<8x1024xf32>
      %reduce_max3A_314 = vector.shape_cast %min3A_313 : vector<8x1024xf32> to vector<1x8x1024xf32>
      %reduce_max3A_315 = arith.constant dense<0xFF800000> : vector<1xf32>
      %reduce_max3A_316 = vector.multi_reduction <maximumf>, %reduce_max3A_314, %reduce_max3A_315 [1, 2] : vector<1x8x1024xf32> to vector<1xf32>
      %reduce_max3A_317 = vector.shape_cast %reduce_max3A_316 : vector<1xf32> to vector<1x1x1xf32>
      %reduce_max3A_318 = vector.extract %reduce_max3A_317[0, 0, 0] : f32 from vector<1x1x1xf32>
      %broadcast_in_dim3A_319 = vector.broadcast %reduce_max3A_318 : f32 to vector<1x1xf32>
      %eq3A_320 = vector.broadcast %broadcast_in_dim3A_319 : vector<1x1xf32> to vector<8x1024xf32>
      %eq3A_321 = arith.cmpf oeq, %min3A_313, %eq3A_320 : vector<8x1024xf32>
      %jit3A_322 = arith.constant 1073741824 : i32
      %broadcast_in_dim3A_323 = vector.broadcast %jit3A_322 : i32 to vector<8x1024xi32>
      %select_n3A_324 = arith.select %eq3A_321, %add3A, %broadcast_in_dim3A_323 : vector<8x1024xi1>, vector<8x1024xi32>
      %reduce_min3A_325 = vector.shape_cast %select_n3A_324 : vector<8x1024xi32> to vector<1x8x1024xi32>
      %reduce_min3A_326 = arith.constant dense<2147483647> : vector<1xi32>
      %reduce_min3A_327 = vector.multi_reduction <minsi>, %reduce_min3A_325, %reduce_min3A_326 [1, 2] : vector<1x8x1024xi32> to vector<1xi32>
      %reduce_min3A_328 = vector.shape_cast %reduce_min3A_327 : vector<1xi32> to vector<1x1x1xi32>
      %reduce_min3A_329 = vector.extract %reduce_min3A_328[0, 0, 0] : i32 from vector<1x1x1xi32>
      %broadcast_in_dim3A_330 = vector.broadcast %reduce_min3A_329 : i32 to vector<1x1xi32>
      %eq3A_331 = vector.broadcast %scan3A_102 : vector<1x1xi32> to vector<8x1024xi32>
      %eq3A_332 = arith.cmpi eq, %add3A, %eq3A_331 : vector<8x1024xi32>
      %jit3A_333 = arith.constant 0.000000e+00 : f32
      %broadcast_in_dim3A_334 = vector.broadcast %jit3A_333 : f32 to vector<8x1024xf32>
      %select_n3A_335 = arith.select %eq3A_332, %get3A_61, %broadcast_in_dim3A_334 : vector<8x1024xi1>, vector<8x1024xf32>
      %reduce_sum3A_336 = vector.shape_cast %select_n3A_335 : vector<8x1024xf32> to vector<1x8x1024xf32>
      %reduce_sum3A_337 = arith.constant dense<0.000000e+00> : vector<1xf32>
      %reduce_sum3A_338 = vector.multi_reduction <add>, %reduce_sum3A_336, %reduce_sum3A_337 [1, 2] : vector<1x8x1024xf32> to vector<1xf32>
      %reduce_sum3A_339 = vector.shape_cast %reduce_sum3A_338 : vector<1xf32> to vector<1x1x1xf32>
      %reduce_sum3A_340 = vector.extract %reduce_sum3A_339[0, 0, 0] : f32 from vector<1x1x1xf32>
      %broadcast_in_dim3A_341 = vector.broadcast %reduce_sum3A_340 : f32 to vector<1x1xf32>
      %jit3A_342 = arith.constant 0.000000e+00 : f32
      %broadcast_in_dim3A_343 = vector.broadcast %jit3A_342 : f32 to vector<8x1024xf32>
      %select_n3A_344 = arith.select %eq3A_332, %get3A_67, %broadcast_in_dim3A_343 : vector<8x1024xi1>, vector<8x1024xf32>
      %reduce_sum3A_345 = vector.shape_cast %select_n3A_344 : vector<8x1024xf32> to vector<1x8x1024xf32>
      %reduce_sum3A_346 = arith.constant dense<0.000000e+00> : vector<1xf32>
      %reduce_sum3A_347 = vector.multi_reduction <add>, %reduce_sum3A_345, %reduce_sum3A_346 [1, 2] : vector<1x8x1024xf32> to vector<1xf32>
      %reduce_sum3A_348 = vector.shape_cast %reduce_sum3A_347 : vector<1xf32> to vector<1x1x1xf32>
      %reduce_sum3A_349 = vector.extract %reduce_sum3A_348[0, 0, 0] : f32 from vector<1x1x1xf32>
      %broadcast_in_dim3A_350 = vector.broadcast %reduce_sum3A_349 : f32 to vector<1x1xf32>
      %jit3A_351 = arith.constant 0.000000e+00 : f32
      %broadcast_in_dim3A_352 = vector.broadcast %jit3A_351 : f32 to vector<8x1024xf32>
      %select_n3A_353 = arith.select %eq3A_332, %get3A_73, %broadcast_in_dim3A_352 : vector<8x1024xi1>, vector<8x1024xf32>
      %reduce_sum3A_354 = vector.shape_cast %select_n3A_353 : vector<8x1024xf32> to vector<1x8x1024xf32>
      %reduce_sum3A_355 = arith.constant dense<0.000000e+00> : vector<1xf32>
      %reduce_sum3A_356 = vector.multi_reduction <add>, %reduce_sum3A_354, %reduce_sum3A_355 [1, 2] : vector<1x8x1024xf32> to vector<1xf32>
      %reduce_sum3A_357 = vector.shape_cast %reduce_sum3A_356 : vector<1xf32> to vector<1x1x1xf32>
      %reduce_sum3A_358 = vector.extract %reduce_sum3A_357[0, 0, 0] : f32 from vector<1x1x1xf32>
      %broadcast_in_dim3A_359 = vector.broadcast %reduce_sum3A_358 : f32 to vector<1x1xf32>
      %swap3A_360 = arith.index_cast %scan3A_94 : i32 to index
      %swap3A_361 = arith.constant 3 : index
      %swap3A_362 = vector.load %arg1[%swap3A_360, %swap3A_361] : memref<1024x4xi32, #tpu.memory_space<vmem>>, vector<1x1xi32>
      tpu.vector_store %arg1[%swap3A_360, %swap3A_361], %scan3A_102 {strides = array<i32>} : memref<1024x4xi32, #tpu.memory_space<vmem>>, vector<1x1xi32>,
      %swap3A_363 = arith.constant 0 : index
      %swap3A_364 = arith.index_cast %scan3A_94 : i32 to index
      %swap3A_365 = arith.constant 3 : index
      %swap3A_366 = vector.load %arg2[%swap3A_363, %swap3A_364, %swap3A_365] : memref<3x1024x4xf32, #tpu.memory_space<vmem>>, vector<1x1x1xf32>
      %swap3A_367 = vector.shape_cast %swap3A_366 : vector<1x1x1xf32> to vector<1x1xf32>
      %swap3A_368 = vector.shape_cast %broadcast_in_dim3A_341 : vector<1x1xf32> to vector<1x1x1xf32>
      tpu.vector_store %arg2[%swap3A_363, %swap3A_364, %swap3A_365], %swap3A_368 {strides = array<i32>} : memref<3x1024x4xf32, #tpu.memory_space<vmem>>, vector<1x1x1xf32>,
      %swap3A_369 = arith.constant 1 : index
      %swap3A_370 = arith.index_cast %scan3A_94 : i32 to index
      %swap3A_371 = arith.constant 3 : index
      %swap3A_372 = vector.load %arg2[%swap3A_369, %swap3A_370, %swap3A_371] : memref<3x1024x4xf32, #tpu.memory_space<vmem>>, vector<1x1x1xf32>
      %swap3A_373 = vector.shape_cast %swap3A_372 : vector<1x1x1xf32> to vector<1x1xf32>
      %swap3A_374 = vector.shape_cast %broadcast_in_dim3A_350 : vector<1x1xf32> to vector<1x1x1xf32>
      tpu.vector_store %arg2[%swap3A_369, %swap3A_370, %swap3A_371], %swap3A_374 {strides = array<i32>} : memref<3x1024x4xf32, #tpu.memory_space<vmem>>, vector<1x1x1xf32>,
      %swap3A_375 = arith.constant 2 : index
      %swap3A_376 = arith.index_cast %scan3A_94 : i32 to index
      %swap3A_377 = arith.constant 3 : index
      %swap3A_378 = vector.load %arg2[%swap3A_375, %swap3A_376, %swap3A_377] : memref<3x1024x4xf32, #tpu.memory_space<vmem>>, vector<1x1x1xf32>
      %swap3A_379 = vector.shape_cast %swap3A_378 : vector<1x1x1xf32> to vector<1x1xf32>
      %swap3A_380 = vector.shape_cast %broadcast_in_dim3A_359 : vector<1x1xf32> to vector<1x1x1xf32>
      tpu.vector_store %arg2[%swap3A_375, %swap3A_376, %swap3A_377], %swap3A_380 {strides = array<i32>} : memref<3x1024x4xf32, #tpu.memory_space<vmem>>, vector<1x1x1xf32>,
      %sub3A_381 = vector.broadcast %broadcast_in_dim3A_341 : vector<1x1xf32> to vector<8x1024xf32>
      %sub3A_382 = arith.subf %get3A_61, %sub3A_381 : vector<8x1024xf32>
      %sub3A_383 = vector.broadcast %broadcast_in_dim3A_350 : vector<1x1xf32> to vector<8x1024xf32>
      %sub3A_384 = arith.subf %get3A_67, %sub3A_383 : vector<8x1024xf32>
      %sub3A_385 = vector.broadcast %broadcast_in_dim3A_359 : vector<1x1xf32> to vector<8x1024xf32>
      %sub3A_386 = arith.subf %get3A_73, %sub3A_385 : vector<8x1024xf32>
      %mul3A_387 = arith.mulf %sub3A_382, %sub3A_382 : vector<8x1024xf32>
      %mul3A_388 = arith.mulf %sub3A_384, %sub3A_384 : vector<8x1024xf32>
      %add3A_389 = arith.addf %mul3A_387, %mul3A_388 : vector<8x1024xf32>
      %mul3A_390 = arith.mulf %sub3A_386, %sub3A_386 : vector<8x1024xf32>
      %add3A_391 = arith.addf %add3A_389, %mul3A_390 : vector<8x1024xf32>
      %min3A_392 = arith.minimumf %scan3A_98, %add3A_391 : vector<8x1024xf32>
      %reduce_max3A_393 = vector.shape_cast %min3A_392 : vector<8x1024xf32> to vector<1x8x1024xf32>
      %reduce_max3A_394 = arith.constant dense<0xFF800000> : vector<1xf32>
      %reduce_max3A_395 = vector.multi_reduction <maximumf>, %reduce_max3A_393, %reduce_max3A_394 [1, 2] : vector<1x8x1024xf32> to vector<1xf32>
      %reduce_max3A_396 = vector.shape_cast %reduce_max3A_395 : vector<1xf32> to vector<1x1x1xf32>
      %reduce_max3A_397 = vector.extract %reduce_max3A_396[0, 0, 0] : f32 from vector<1x1x1xf32>
      %broadcast_in_dim3A_398 = vector.broadcast %reduce_max3A_397 : f32 to vector<1x1xf32>
      %eq3A_399 = vector.broadcast %broadcast_in_dim3A_398 : vector<1x1xf32> to vector<8x1024xf32>
      %eq3A_400 = arith.cmpf oeq, %min3A_392, %eq3A_399 : vector<8x1024xf32>
      %jit3A_401 = arith.constant 1073741824 : i32
      %broadcast_in_dim3A_402 = vector.broadcast %jit3A_401 : i32 to vector<8x1024xi32>
      %select_n3A_403 = arith.select %eq3A_400, %add3A, %broadcast_in_dim3A_402 : vector<8x1024xi1>, vector<8x1024xi32>
      %reduce_min3A_404 = vector.shape_cast %select_n3A_403 : vector<8x1024xi32> to vector<1x8x1024xi32>
      %reduce_min3A_405 = arith.constant dense<2147483647> : vector<1xi32>
      %reduce_min3A_406 = vector.multi_reduction <minsi>, %reduce_min3A_404, %reduce_min3A_405 [1, 2] : vector<1x8x1024xi32> to vector<1xi32>
      %reduce_min3A_407 = vector.shape_cast %reduce_min3A_406 : vector<1xi32> to vector<1x1x1xi32>
      %reduce_min3A_408 = vector.extract %reduce_min3A_407[0, 0, 0] : i32 from vector<1x1x1xi32>
      %broadcast_in_dim3A_409 = vector.broadcast %reduce_min3A_408 : i32 to vector<1x1xi32>
      scf.yield %min3A, %min3A_234, %min3A_313, %min3A_392, %broadcast_in_dim3A_172, %broadcast_in_dim3A_251, %broadcast_in_dim3A_330, %broadcast_in_dim3A_409 : vector<8x1024xf32>, vector<8x1024xf32>, vector<8x1024xf32>, vector<8x1024xf32>, vector<1x1xi32>, vector<1x1xi32>, vector<1x1xi32>, vector<1x1xi32>
    }
    %scan3A_93 = arith.constant 1024 : i32
    return
  }
}

module attributes {stable_mosaic.version = 14 : i64} {
  func.func @_knn_body(%arg0: i32, %arg1: i32, %arg2: memref<1x8192x3xf32, #tpu.memory_space<vmem>>, %arg3: memref<3x128xf32, #tpu.memory_space<vmem>>, %arg4: memref<1x32x128xi32, #tpu.memory_space<vmem>>) attributes {dimension_semantics = [#tpu.dimension_semantics<arbitrary>, #tpu.dimension_semantics<arbitrary>], iteration_bounds = array<i64: 4, 8>, scalar_prefetch = 0 : i64, scratch_operands = 0 : i64, tpu.core_type = #tpu.core_type<tc>, window_params = [{transform_indices = @transform_0, window_bounds = array<i64: 1, 8192, 3>}, {transform_indices = @transform_1, window_bounds = array<i64: 3, 128>}, {transform_indices = @transform_2, window_bounds = array<i64: 1, 32, 128>}]} {
    %get3A = arith.constant 0 : index
    %get3A_0 = arith.constant 0 : index
    %get3A_1 = arith.constant 0 : index
    %get3A_2 = vector.load %arg2[%get3A, %get3A_0, %get3A_1] : memref<1x8192x3xf32, #tpu.memory_space<vmem>>, vector<1x8192x1xf32>
    %get3A_3 = vector.shape_cast %get3A_2 : vector<1x8192x1xf32> to vector<8192x1xf32>
    %get3A_4 = arith.constant 0 : index
    %get3A_5 = arith.constant 0 : index
    %get3A_6 = arith.constant 1 : index
    %get3A_7 = vector.load %arg2[%get3A_4, %get3A_5, %get3A_6] : memref<1x8192x3xf32, #tpu.memory_space<vmem>>, vector<1x8192x1xf32>
    %get3A_8 = vector.shape_cast %get3A_7 : vector<1x8192x1xf32> to vector<8192x1xf32>
    %get3A_9 = arith.constant 0 : index
    %get3A_10 = arith.constant 0 : index
    %get3A_11 = arith.constant 2 : index
    %get3A_12 = vector.load %arg2[%get3A_9, %get3A_10, %get3A_11] : memref<1x8192x3xf32, #tpu.memory_space<vmem>>, vector<1x8192x1xf32>
    %get3A_13 = vector.shape_cast %get3A_12 : vector<1x8192x1xf32> to vector<8192x1xf32>
    %get3A_14 = arith.constant 0 : index
    %get3A_15 = arith.constant 0 : index
    %get3A_16 = vector.load %arg3[%get3A_14, %get3A_15] : memref<3x128xf32, #tpu.memory_space<vmem>>, vector<1x128xf32>
    %get3A_17 = arith.constant 1 : index
    %get3A_18 = arith.constant 0 : index
    %get3A_19 = vector.load %arg3[%get3A_17, %get3A_18] : memref<3x128xf32, #tpu.memory_space<vmem>>, vector<1x128xf32>
    %get3A_20 = arith.constant 2 : index
    %get3A_21 = arith.constant 0 : index
    %get3A_22 = vector.load %arg3[%get3A_20, %get3A_21] : memref<3x128xf32, #tpu.memory_space<vmem>>, vector<1x128xf32>
    %mul3A = arith.mulf %get3A_16, %get3A_16 : vector<1x128xf32>
    %mul3A_23 = arith.mulf %get3A_19, %get3A_19 : vector<1x128xf32>
    %add3A = arith.addf %mul3A, %mul3A_23 : vector<1x128xf32>
    %mul3A_24 = arith.mulf %get3A_22, %get3A_22 : vector<1x128xf32>
    %add3A_25 = arith.addf %add3A, %mul3A_24 : vector<1x128xf32>
    %mul3A_26 = arith.mulf %get3A_3, %get3A_3 : vector<8192x1xf32>
    %mul3A_27 = arith.mulf %get3A_8, %get3A_8 : vector<8192x1xf32>
    %add3A_28 = arith.addf %mul3A_26, %mul3A_27 : vector<8192x1xf32>
    %mul3A_29 = arith.mulf %get3A_13, %get3A_13 : vector<8192x1xf32>
    %add3A_30 = arith.addf %add3A_28, %mul3A_29 : vector<8192x1xf32>
    %bitcast_convert_type3A = tpu.bitcast %get3A_16 : vector<1x128xf32> -> vector<1x128xi32>
    %add3A_31 = arith.constant 32767 : i32
    %add3A_32 = vector.broadcast %add3A_31 : i32 to vector<1x128xi32>
    %add3A_33 = arith.addi %bitcast_convert_type3A, %add3A_32 : vector<1x128xi32>
    %shift_right_logical3A = arith.constant 16 : i32
    %shift_right_logical3A_34 = vector.broadcast %shift_right_logical3A : i32 to vector<1x128xi32>
    %shift_right_logical3A_35 = arith.shrui %bitcast_convert_type3A, %shift_right_logical3A_34 : vector<1x128xi32>
    %and3A = arith.constant 1 : i32
    %and3A_36 = vector.broadcast %and3A : i32 to vector<1x128xi32>
    %and3A_37 = arith.andi %shift_right_logical3A_35, %and3A_36 : vector<1x128xi32>
    %add3A_38 = arith.addi %add3A_33, %and3A_37 : vector<1x128xi32>
    %and3A_39 = arith.constant -65536 : i32
    %and3A_40 = vector.broadcast %and3A_39 : i32 to vector<1x128xi32>
    %and3A_41 = arith.andi %add3A_38, %and3A_40 : vector<1x128xi32>
    %bitcast_convert_type3A_42 = tpu.bitcast %and3A_41 : vector<1x128xi32> -> vector<1x128xf32>
    %bitcast_convert_type3A_43 = tpu.bitcast %get3A_3 : vector<8192x1xf32> -> vector<8192x1xi32>
    %add3A_44 = arith.constant 32767 : i32
    %add3A_45 = vector.broadcast %add3A_44 : i32 to vector<8192x1xi32>
    %add3A_46 = arith.addi %bitcast_convert_type3A_43, %add3A_45 : vector<8192x1xi32>
    %shift_right_logical3A_47 = arith.constant 16 : i32
    %shift_right_logical3A_48 = vector.broadcast %shift_right_logical3A_47 : i32 to vector<8192x1xi32>
    %shift_right_logical3A_49 = arith.shrui %bitcast_convert_type3A_43, %shift_right_logical3A_48 : vector<8192x1xi32>
    %and3A_50 = arith.constant 1 : i32
    %and3A_51 = vector.broadcast %and3A_50 : i32 to vector<8192x1xi32>
    %and3A_52 = arith.andi %shift_right_logical3A_49, %and3A_51 : vector<8192x1xi32>
    %add3A_53 = arith.addi %add3A_46, %and3A_52 : vector<8192x1xi32>
    %and3A_54 = arith.constant -65536 : i32
    %and3A_55 = vector.broadcast %and3A_54 : i32 to vector<8192x1xi32>
    %and3A_56 = arith.andi %add3A_53, %and3A_55 : vector<8192x1xi32>
    %bitcast_convert_type3A_57 = tpu.bitcast %and3A_56 : vector<8192x1xi32> -> vector<8192x1xf32>
    %mul3A_58 = vector.broadcast %bitcast_convert_type3A_42 : vector<1x128xf32> to vector<8192x128xf32>
    %mul3A_59 = vector.broadcast %bitcast_convert_type3A_57 : vector<8192x1xf32> to vector<8192x128xf32>
    %mul3A_60 = arith.mulf %mul3A_58, %mul3A_59 : vector<8192x128xf32>
    %bitcast_convert_type3A_61 = tpu.bitcast %get3A_19 : vector<1x128xf32> -> vector<1x128xi32>
    %add3A_62 = arith.constant 32767 : i32
    %add3A_63 = vector.broadcast %add3A_62 : i32 to vector<1x128xi32>
    %add3A_64 = arith.addi %bitcast_convert_type3A_61, %add3A_63 : vector<1x128xi32>
    %shift_right_logical3A_65 = arith.constant 16 : i32
    %shift_right_logical3A_66 = vector.broadcast %shift_right_logical3A_65 : i32 to vector<1x128xi32>
    %shift_right_logical3A_67 = arith.shrui %bitcast_convert_type3A_61, %shift_right_logical3A_66 : vector<1x128xi32>
    %and3A_68 = arith.constant 1 : i32
    %and3A_69 = vector.broadcast %and3A_68 : i32 to vector<1x128xi32>
    %and3A_70 = arith.andi %shift_right_logical3A_67, %and3A_69 : vector<1x128xi32>
    %add3A_71 = arith.addi %add3A_64, %and3A_70 : vector<1x128xi32>
    %and3A_72 = arith.constant -65536 : i32
    %and3A_73 = vector.broadcast %and3A_72 : i32 to vector<1x128xi32>
    %and3A_74 = arith.andi %add3A_71, %and3A_73 : vector<1x128xi32>
    %bitcast_convert_type3A_75 = tpu.bitcast %and3A_74 : vector<1x128xi32> -> vector<1x128xf32>
    %bitcast_convert_type3A_76 = tpu.bitcast %get3A_8 : vector<8192x1xf32> -> vector<8192x1xi32>
    %add3A_77 = arith.constant 32767 : i32
    %add3A_78 = vector.broadcast %add3A_77 : i32 to vector<8192x1xi32>
    %add3A_79 = arith.addi %bitcast_convert_type3A_76, %add3A_78 : vector<8192x1xi32>
    %shift_right_logical3A_80 = arith.constant 16 : i32
    %shift_right_logical3A_81 = vector.broadcast %shift_right_logical3A_80 : i32 to vector<8192x1xi32>
    %shift_right_logical3A_82 = arith.shrui %bitcast_convert_type3A_76, %shift_right_logical3A_81 : vector<8192x1xi32>
    %and3A_83 = arith.constant 1 : i32
    %and3A_84 = vector.broadcast %and3A_83 : i32 to vector<8192x1xi32>
    %and3A_85 = arith.andi %shift_right_logical3A_82, %and3A_84 : vector<8192x1xi32>
    %add3A_86 = arith.addi %add3A_79, %and3A_85 : vector<8192x1xi32>
    %and3A_87 = arith.constant -65536 : i32
    %and3A_88 = vector.broadcast %and3A_87 : i32 to vector<8192x1xi32>
    %and3A_89 = arith.andi %add3A_86, %and3A_88 : vector<8192x1xi32>
    %bitcast_convert_type3A_90 = tpu.bitcast %and3A_89 : vector<8192x1xi32> -> vector<8192x1xf32>
    %mul3A_91 = vector.broadcast %bitcast_convert_type3A_75 : vector<1x128xf32> to vector<8192x128xf32>
    %mul3A_92 = vector.broadcast %bitcast_convert_type3A_90 : vector<8192x1xf32> to vector<8192x128xf32>
    %mul3A_93 = arith.mulf %mul3A_91, %mul3A_92 : vector<8192x128xf32>
    %add3A_94 = arith.addf %mul3A_60, %mul3A_93 : vector<8192x128xf32>
    %bitcast_convert_type3A_95 = tpu.bitcast %get3A_22 : vector<1x128xf32> -> vector<1x128xi32>
    %add3A_96 = arith.constant 32767 : i32
    %add3A_97 = vector.broadcast %add3A_96 : i32 to vector<1x128xi32>
    %add3A_98 = arith.addi %bitcast_convert_type3A_95, %add3A_97 : vector<1x128xi32>
    %shift_right_logical3A_99 = arith.constant 16 : i32
    %shift_right_logical3A_100 = vector.broadcast %shift_right_logical3A_99 : i32 to vector<1x128xi32>
    %shift_right_logical3A_101 = arith.shrui %bitcast_convert_type3A_95, %shift_right_logical3A_100 : vector<1x128xi32>
    %and3A_102 = arith.constant 1 : i32
    %and3A_103 = vector.broadcast %and3A_102 : i32 to vector<1x128xi32>
    %and3A_104 = arith.andi %shift_right_logical3A_101, %and3A_103 : vector<1x128xi32>
    %add3A_105 = arith.addi %add3A_98, %and3A_104 : vector<1x128xi32>
    %and3A_106 = arith.constant -65536 : i32
    %and3A_107 = vector.broadcast %and3A_106 : i32 to vector<1x128xi32>
    %and3A_108 = arith.andi %add3A_105, %and3A_107 : vector<1x128xi32>
    %bitcast_convert_type3A_109 = tpu.bitcast %and3A_108 : vector<1x128xi32> -> vector<1x128xf32>
    %bitcast_convert_type3A_110 = tpu.bitcast %get3A_13 : vector<8192x1xf32> -> vector<8192x1xi32>
    %add3A_111 = arith.constant 32767 : i32
    %add3A_112 = vector.broadcast %add3A_111 : i32 to vector<8192x1xi32>
    %add3A_113 = arith.addi %bitcast_convert_type3A_110, %add3A_112 : vector<8192x1xi32>
    %shift_right_logical3A_114 = arith.constant 16 : i32
    %shift_right_logical3A_115 = vector.broadcast %shift_right_logical3A_114 : i32 to vector<8192x1xi32>
    %shift_right_logical3A_116 = arith.shrui %bitcast_convert_type3A_110, %shift_right_logical3A_115 : vector<8192x1xi32>
    %and3A_117 = arith.constant 1 : i32
    %and3A_118 = vector.broadcast %and3A_117 : i32 to vector<8192x1xi32>
    %and3A_119 = arith.andi %shift_right_logical3A_116, %and3A_118 : vector<8192x1xi32>
    %add3A_120 = arith.addi %add3A_113, %and3A_119 : vector<8192x1xi32>
    %and3A_121 = arith.constant -65536 : i32
    %and3A_122 = vector.broadcast %and3A_121 : i32 to vector<8192x1xi32>
    %and3A_123 = arith.andi %add3A_120, %and3A_122 : vector<8192x1xi32>
    %bitcast_convert_type3A_124 = tpu.bitcast %and3A_123 : vector<8192x1xi32> -> vector<8192x1xf32>
    %mul3A_125 = vector.broadcast %bitcast_convert_type3A_109 : vector<1x128xf32> to vector<8192x128xf32>
    %mul3A_126 = vector.broadcast %bitcast_convert_type3A_124 : vector<8192x1xf32> to vector<8192x128xf32>
    %mul3A_127 = arith.mulf %mul3A_125, %mul3A_126 : vector<8192x128xf32>
    %add3A_128 = arith.addf %add3A_94, %mul3A_127 : vector<8192x128xf32>
    %add3A_129 = vector.broadcast %add3A_25 : vector<1x128xf32> to vector<8192x128xf32>
    %add3A_130 = vector.broadcast %add3A_30 : vector<8192x1xf32> to vector<8192x128xf32>
    %add3A_131 = arith.addf %add3A_129, %add3A_130 : vector<8192x128xf32>
    %mul3A_132 = arith.constant 2.000000e+00 : f32
    %mul3A_133 = vector.broadcast %mul3A_132 : f32 to vector<8192x128xf32>
    %mul3A_134 = arith.mulf %mul3A_133, %add3A_128 : vector<8192x128xf32>
    %sub3A = arith.subf %add3A_131, %mul3A_134 : vector<8192x128xf32>
    %iota3A = tpu.iota {dimensions = array<i32: 0>} : vector<8192x128xi32>
    %scan3A = arith.constant 0 : i32
    %scan3A_135 = arith.constant 32 : i32
    %scan3A_136 = arith.addi %scan3A, %scan3A_135 : i32
    %scan3A_137 = arith.constant 1 : i32
    %scan3A_138 = scf.for %scan3A_140 = %scan3A to %scan3A_136 step %scan3A_137 iter_args(%scan3A_141 = %sub3A) -> (vector<8192x128xf32>)  : i32 {
      %reduce_min3A = arith.constant dense<0x7F800000> : vector<128xf32>
      %reduce_min3A_142 = vector.multi_reduction <minimumf>, %scan3A_141, %reduce_min3A [0] : vector<8192x128xf32> to vector<128xf32>
      %broadcast_in_dim3A = vector.shape_cast %reduce_min3A_142 : vector<128xf32> to vector<1x128xf32>
      %eq3A = vector.broadcast %broadcast_in_dim3A : vector<1x128xf32> to vector<8192x128xf32>
      %eq3A_143 = arith.cmpf oeq, %scan3A_141, %eq3A : vector<8192x128xf32>
      %jit3A = arith.constant 1073741824 : i32
      %broadcast_in_dim3A_144 = vector.broadcast %jit3A : i32 to vector<8192x128xi32>
      %select_n3A = arith.select %eq3A_143, %iota3A, %broadcast_in_dim3A_144 : vector<8192x128xi1>, vector<8192x128xi32>
      %reduce_min3A_145 = arith.constant dense<2147483647> : vector<128xi32>
      %reduce_min3A_146 = vector.multi_reduction <minsi>, %select_n3A, %reduce_min3A_145 [0] : vector<8192x128xi32> to vector<128xi32>
      %broadcast_in_dim3A_147 = vector.shape_cast %reduce_min3A_146 : vector<128xi32> to vector<1x128xi32>
      %swap3A = arith.constant 0 : index
      %swap3A_148 = arith.index_cast %scan3A_140 : i32 to index
      %swap3A_149 = arith.constant 0 : index
      %swap3A_150 = vector.load %arg4[%swap3A, %swap3A_148, %swap3A_149] : memref<1x32x128xi32, #tpu.memory_space<vmem>>, vector<1x1x128xi32>
      %swap3A_151 = vector.shape_cast %swap3A_150 : vector<1x1x128xi32> to vector<1x128xi32>
      %swap3A_152 = vector.shape_cast %broadcast_in_dim3A_147 : vector<1x128xi32> to vector<1x1x128xi32>
      tpu.vector_store %arg4[%swap3A, %swap3A_148, %swap3A_149], %swap3A_152 {strides = array<i32>} : memref<1x32x128xi32, #tpu.memory_space<vmem>>, vector<1x1x128xi32>,
      %eq3A_153 = vector.broadcast %broadcast_in_dim3A_147 : vector<1x128xi32> to vector<8192x128xi32>
      %eq3A_154 = arith.cmpi eq, %iota3A, %eq3A_153 : vector<8192x128xi32>
      %jit3A_155 = arith.constant 0x7F800000 : f32
      %broadcast_in_dim3A_156 = vector.broadcast %jit3A_155 : f32 to vector<8192x128xf32>
      %select_n3A_157 = arith.select %eq3A_154, %broadcast_in_dim3A_156, %scan3A_141 : vector<8192x128xi1>, vector<8192x128xf32>
      scf.yield %select_n3A_157 : vector<8192x128xf32>
    }
    %scan3A_139 = arith.constant 32 : i32
    return
  }
  func.func @transform_0(%arg0: i32, %arg1: i32) -> (i32, i32, i32) {
    %c0_i32 = arith.constant 0 : i32
    %c0_i32_0 = arith.constant 0 : i32
    %c0_i32_1 = arith.constant 0 : i32
    return %arg0, %c0_i32, %c0_i32_0 : i32, i32, i32
  }
  func.func @transform_1(%arg0: i32, %arg1: i32) -> (i32, i32) {
    %mul3A = arith.constant 8 : i32
    %mul3A_0 = arith.muli %arg0, %mul3A : i32
    %add3A = arith.addi %mul3A_0, %arg1 : i32
    %c0_i32 = arith.constant 0 : i32
    %c0_i32_1 = arith.constant 0 : i32
    return %c0_i32, %add3A : i32, i32
  }
  func.func @transform_2(%arg0: i32, %arg1: i32) -> (i32, i32, i32) {
    %c0_i32 = arith.constant 0 : i32
    %c0_i32_0 = arith.constant 0 : i32
    return %arg0, %c0_i32, %arg1 : i32, i32, i32
  }
}

module attributes {stable_mosaic.version = 14 : i64} {
  func.func @_sums_body(%arg0: i32, %arg1: memref<4096x128xf32, #tpu.memory_space<vmem>>, %arg2: memref<128x128xf32, #tpu.memory_space<vmem>>, %arg3: memref<1x1xf32, #tpu.memory_space<smem>>, %arg4: memref<1x1xf32, #tpu.memory_space<smem>>) attributes {dimension_semantics = [#tpu.dimension_semantics<arbitrary>], iteration_bounds = array<i64: 32>, scalar_prefetch = 0 : i64, scratch_operands = 0 : i64, tpu.core_type = #tpu.core_type<tc>, window_params = [{transform_indices = @transform_0, window_bounds = array<i64: 4096, 128>}, {transform_indices = @transform_1, window_bounds = array<i64: 128, 128>}, {transform_indices = @transform_2, window_bounds = array<i64: 1, 1>}, {transform_indices = @transform_3, window_bounds = array<i64: 1, 1>}]} {
    %get3A = arith.constant 0 : index
    %get3A_0 = arith.constant 0 : index
    %get3A_1 = vector.load %arg1[%get3A, %get3A_0] : memref<4096x128xf32, #tpu.memory_space<vmem>>, vector<4096x128xf32>
    %reshape3A = vector.shape_cast %get3A_1 : vector<4096x128xf32> to vector<128x32x128xf32>
    %get3A_2 = arith.constant 0 : index
    %get3A_3 = arith.constant 0 : index
    %get3A_4 = vector.load %arg2[%get3A_2, %get3A_3] : memref<128x128xf32, #tpu.memory_space<vmem>>, vector<128x128xf32>
    %broadcast_in_dim3A = vector.shape_cast %get3A_4 : vector<128x128xf32> to vector<128x1x128xf32>
    %sub3A = vector.broadcast %broadcast_in_dim3A : vector<128x1x128xf32> to vector<128x32x128xf32>
    %sub3A_5 = arith.subf %reshape3A, %sub3A : vector<128x32x128xf32>
    %reduce_sum3A = vector.shape_cast %sub3A_5 : vector<128x32x128xf32> to vector<1x128x32x128xf32>
    %reduce_sum3A_6 = arith.constant dense<0.000000e+00> : vector<1xf32>
    %reduce_sum3A_7 = vector.multi_reduction <add>, %reduce_sum3A, %reduce_sum3A_6 [1, 2, 3] : vector<1x128x32x128xf32> to vector<1xf32>
    %reduce_sum3A_8 = vector.shape_cast %reduce_sum3A_7 : vector<1xf32> to vector<1x1x1x1xf32>
    %reduce_sum3A_9 = vector.extract %reduce_sum3A_8[0, 0, 0, 0] : f32 from vector<1x1x1x1xf32>
    %mul3A = arith.mulf %sub3A_5, %sub3A_5 : vector<128x32x128xf32>
    %reduce_sum3A_10 = vector.shape_cast %mul3A : vector<128x32x128xf32> to vector<1x128x32x128xf32>
    %reduce_sum3A_11 = arith.constant dense<0.000000e+00> : vector<1xf32>
    %reduce_sum3A_12 = vector.multi_reduction <add>, %reduce_sum3A_10, %reduce_sum3A_11 [1, 2, 3] : vector<1x128x32x128xf32> to vector<1xf32>
    %reduce_sum3A_13 = vector.shape_cast %reduce_sum3A_12 : vector<1xf32> to vector<1x1x1x1xf32>
    %reduce_sum3A_14 = vector.extract %reduce_sum3A_13[0, 0, 0, 0] : f32 from vector<1x1x1x1xf32>
    %eq3A = arith.constant 0 : i32
    %eq3A_15 = arith.cmpi eq, %arg0, %eq3A : i32
    %convert_element_type3A = arith.extui %eq3A_15 : i1 to i32
    %cond3A = arith.constant 0 : i32
    %cond3A_16 = arith.cmpi ne, %convert_element_type3A, %cond3A : i32
    scf.if %cond3A_16 {
      %swap3A_29 = arith.constant 0.000000e+00 : f32
      %swap3A_30 = arith.constant 0 : index
      %swap3A_31 = arith.constant 0 : index
      %swap3A_32 = memref.load %arg3[%swap3A_30, %swap3A_31] : memref<1x1xf32, #tpu.memory_space<smem>>
      memref.store %swap3A_29, %arg3[%swap3A_30, %swap3A_31] : memref<1x1xf32, #tpu.memory_space<smem>>
      %swap3A_33 = arith.constant 0.000000e+00 : f32
      %swap3A_34 = arith.constant 0 : index
      %swap3A_35 = arith.constant 0 : index
      %swap3A_36 = memref.load %arg4[%swap3A_34, %swap3A_35] : memref<1x1xf32, #tpu.memory_space<smem>>
      memref.store %swap3A_33, %arg4[%swap3A_34, %swap3A_35] : memref<1x1xf32, #tpu.memory_space<smem>>
    } else {
    }
    %get3A_17 = arith.constant 0 : index
    %get3A_18 = arith.constant 0 : index
    %get3A_19 = memref.load %arg3[%get3A_17, %get3A_18] : memref<1x1xf32, #tpu.memory_space<smem>>
    %add3A = arith.addf %get3A_19, %reduce_sum3A_9 : f32
    %swap3A = arith.constant 0 : index
    %swap3A_20 = arith.constant 0 : index
    %swap3A_21 = memref.load %arg3[%swap3A, %swap3A_20] : memref<1x1xf32, #tpu.memory_space<smem>>
    memref.store %add3A, %arg3[%swap3A, %swap3A_20] : memref<1x1xf32, #tpu.memory_space<smem>>
    %get3A_22 = arith.constant 0 : index
    %get3A_23 = arith.constant 0 : index
    %get3A_24 = memref.load %arg4[%get3A_22, %get3A_23] : memref<1x1xf32, #tpu.memory_space<smem>>
    %add3A_25 = arith.addf %get3A_24, %reduce_sum3A_14 : f32
    %swap3A_26 = arith.constant 0 : index
    %swap3A_27 = arith.constant 0 : index
    %swap3A_28 = memref.load %arg4[%swap3A_26, %swap3A_27] : memref<1x1xf32, #tpu.memory_space<smem>>
    memref.store %add3A_25, %arg4[%swap3A_26, %swap3A_27] : memref<1x1xf32, #tpu.memory_space<smem>>
    return
  }
  func.func @transform_0(%arg0: i32) -> (i32, i32) {
    %c0_i32 = arith.constant 0 : i32
    %c0_i32_0 = arith.constant 0 : i32
    return %arg0, %c0_i32 : i32, i32
  }
  func.func @transform_1(%arg0: i32) -> (i32, i32) {
    %c0_i32 = arith.constant 0 : i32
    %c0_i32_0 = arith.constant 0 : i32
    return %arg0, %c0_i32 : i32, i32
  }
  func.func @transform_2(%arg0: i32) -> (i32, i32) {
    %c0_i32 = arith.constant 0 : i32
    %c0_i32_0 = arith.constant 0 : i32
    %c0_i32_1 = arith.constant 0 : i32
    return %c0_i32, %c0_i32_0 : i32, i32
  }
  func.func @transform_3(%arg0: i32) -> (i32, i32) {
    %c0_i32 = arith.constant 0 : i32
    %c0_i32_0 = arith.constant 0 : i32
    %c0_i32_1 = arith.constant 0 : i32
    return %c0_i32, %c0_i32_0 : i32, i32
  }
}

module attributes {stable_mosaic.version = 14 : i64} {
  func.func @_normxyz_body(%arg0: i32, %arg1: memref<4096x128xf32, #tpu.memory_space<vmem>>, %arg2: memref<128x128xf32, #tpu.memory_space<vmem>>, %arg3: memref<1xf32, #tpu.memory_space<smem>>, %arg4: memref<4096x3xf32, #tpu.memory_space<vmem>>) attributes {dimension_semantics = [#tpu.dimension_semantics<arbitrary>], iteration_bounds = array<i64: 32>, scalar_prefetch = 0 : i64, scratch_operands = 0 : i64, tpu.core_type = #tpu.core_type<tc>, window_params = [{transform_indices = @transform_0, window_bounds = array<i64: 4096, 128>}, {transform_indices = @transform_1, window_bounds = array<i64: 128, 128>}, {transform_indices = @transform_2, window_bounds = array<i64: 1>}, {transform_indices = @transform_3, window_bounds = array<i64: 4096, 3>}]} {
    %get3A = arith.constant 0 : index
    %get3A_0 = memref.load %arg3[%get3A] : memref<1xf32, #tpu.memory_space<smem>>
    %get3A_1 = arith.constant 0 : index
    %get3A_2 = arith.constant 0 : index
    %get3A_3 = vector.load %arg1[%get3A_1, %get3A_2] : memref<4096x128xf32, #tpu.memory_space<vmem>>, vector<4096x128xf32>
    %reshape3A = vector.shape_cast %get3A_3 : vector<4096x128xf32> to vector<128x32x128xf32>
    %get3A_4 = arith.constant 0 : index
    %get3A_5 = arith.constant 0 : index
    %get3A_6 = vector.load %arg2[%get3A_4, %get3A_5] : memref<128x128xf32, #tpu.memory_space<vmem>>, vector<128x128xf32>
    %broadcast_in_dim3A = vector.shape_cast %get3A_6 : vector<128x128xf32> to vector<128x1x128xf32>
    %sub3A = vector.broadcast %broadcast_in_dim3A : vector<128x1x128xf32> to vector<128x32x128xf32>
    %sub3A_7 = arith.subf %reshape3A, %sub3A : vector<128x32x128xf32>
    %mul3A = vector.broadcast %get3A_0 : f32 to vector<128x32x128xf32>
    %mul3A_8 = arith.mulf %sub3A_7, %mul3A : vector<128x32x128xf32>
    %reshape3A_9 = vector.shape_cast %mul3A_8 : vector<128x32x128xf32> to vector<4096x128xf32>
    %slice3A = vector.extract_strided_slice %reshape3A_9 {offsets = [0, 0], sizes = [4096, 3], strides = [1, 1]} : vector<4096x128xf32> to vector<4096x3xf32>
    %swap3A = arith.constant 0 : index
    %swap3A_10 = arith.constant 0 : index
    %swap3A_11 = vector.load %arg4[%swap3A, %swap3A_10] : memref<4096x3xf32, #tpu.memory_space<vmem>>, vector<4096x3xf32>
    tpu.vector_store %arg4[%swap3A, %swap3A_10], %slice3A {strides = array<i32>} : memref<4096x3xf32, #tpu.memory_space<vmem>>, vector<4096x3xf32>,
    return
  }
  func.func @transform_0(%arg0: i32) -> (i32, i32) {
    %c0_i32 = arith.constant 0 : i32
    %c0_i32_0 = arith.constant 0 : i32
    return %arg0, %c0_i32 : i32, i32
  }
  func.func @transform_1(%arg0: i32) -> (i32, i32) {
    %c0_i32 = arith.constant 0 : i32
    %c0_i32_0 = arith.constant 0 : i32
    return %arg0, %c0_i32 : i32, i32
  }
  func.func @transform_2(%arg0: i32) -> i32 {
    %c0_i32 = arith.constant 0 : i32
    %c0_i32_0 = arith.constant 0 : i32
    return %c0_i32 : i32
  }
  func.func @transform_3(%arg0: i32) -> (i32, i32) {
    %c0_i32 = arith.constant 0 : i32
    %c0_i32_0 = arith.constant 0 : i32
    return %arg0, %c0_i32 : i32, i32
  }
}

module attributes {stable_mosaic.version = 14 : i64} {
  func.func @_sums_body(%arg0: i32, %arg1: memref<2048x256xf32, #tpu.memory_space<vmem>>, %arg2: memref<64x256xf32, #tpu.memory_space<vmem>>, %arg3: memref<1x1xf32, #tpu.memory_space<smem>>, %arg4: memref<1x1xf32, #tpu.memory_space<smem>>) attributes {dimension_semantics = [#tpu.dimension_semantics<arbitrary>], iteration_bounds = array<i64: 64>, scalar_prefetch = 0 : i64, scratch_operands = 0 : i64, tpu.core_type = #tpu.core_type<tc>, window_params = [{transform_indices = @transform_0, window_bounds = array<i64: 2048, 256>}, {transform_indices = @transform_1, window_bounds = array<i64: 64, 256>}, {transform_indices = @transform_2, window_bounds = array<i64: 1, 1>}, {transform_indices = @transform_3, window_bounds = array<i64: 1, 1>}]} {
    %get3A = arith.constant 0 : index
    %get3A_0 = arith.constant 0 : index
    %get3A_1 = vector.load %arg1[%get3A, %get3A_0] : memref<2048x256xf32, #tpu.memory_space<vmem>>, vector<2048x256xf32>
    %reshape3A = vector.shape_cast %get3A_1 : vector<2048x256xf32> to vector<64x32x256xf32>
    %get3A_2 = arith.constant 0 : index
    %get3A_3 = arith.constant 0 : index
    %get3A_4 = vector.load %arg2[%get3A_2, %get3A_3] : memref<64x256xf32, #tpu.memory_space<vmem>>, vector<64x256xf32>
    %broadcast_in_dim3A = vector.shape_cast %get3A_4 : vector<64x256xf32> to vector<64x1x256xf32>
    %sub3A = vector.broadcast %broadcast_in_dim3A : vector<64x1x256xf32> to vector<64x32x256xf32>
    %sub3A_5 = arith.subf %reshape3A, %sub3A : vector<64x32x256xf32>
    %reduce_sum3A = vector.shape_cast %sub3A_5 : vector<64x32x256xf32> to vector<1x64x32x256xf32>
    %reduce_sum3A_6 = arith.constant dense<0.000000e+00> : vector<1xf32>
    %reduce_sum3A_7 = vector.multi_reduction <add>, %reduce_sum3A, %reduce_sum3A_6 [1, 2, 3] : vector<1x64x32x256xf32> to vector<1xf32>
    %reduce_sum3A_8 = vector.shape_cast %reduce_sum3A_7 : vector<1xf32> to vector<1x1x1x1xf32>
    %reduce_sum3A_9 = vector.extract %reduce_sum3A_8[0, 0, 0, 0] : f32 from vector<1x1x1x1xf32>
    %mul3A = arith.mulf %sub3A_5, %sub3A_5 : vector<64x32x256xf32>
    %reduce_sum3A_10 = vector.shape_cast %mul3A : vector<64x32x256xf32> to vector<1x64x32x256xf32>
    %reduce_sum3A_11 = arith.constant dense<0.000000e+00> : vector<1xf32>
    %reduce_sum3A_12 = vector.multi_reduction <add>, %reduce_sum3A_10, %reduce_sum3A_11 [1, 2, 3] : vector<1x64x32x256xf32> to vector<1xf32>
    %reduce_sum3A_13 = vector.shape_cast %reduce_sum3A_12 : vector<1xf32> to vector<1x1x1x1xf32>
    %reduce_sum3A_14 = vector.extract %reduce_sum3A_13[0, 0, 0, 0] : f32 from vector<1x1x1x1xf32>
    %eq3A = arith.constant 0 : i32
    %eq3A_15 = arith.cmpi eq, %arg0, %eq3A : i32
    %convert_element_type3A = arith.extui %eq3A_15 : i1 to i32
    %cond3A = arith.constant 0 : i32
    %cond3A_16 = arith.cmpi ne, %convert_element_type3A, %cond3A : i32
    scf.if %cond3A_16 {
      %swap3A_29 = arith.constant 0.000000e+00 : f32
      %swap3A_30 = arith.constant 0 : index
      %swap3A_31 = arith.constant 0 : index
      %swap3A_32 = memref.load %arg3[%swap3A_30, %swap3A_31] : memref<1x1xf32, #tpu.memory_space<smem>>
      memref.store %swap3A_29, %arg3[%swap3A_30, %swap3A_31] : memref<1x1xf32, #tpu.memory_space<smem>>
      %swap3A_33 = arith.constant 0.000000e+00 : f32
      %swap3A_34 = arith.constant 0 : index
      %swap3A_35 = arith.constant 0 : index
      %swap3A_36 = memref.load %arg4[%swap3A_34, %swap3A_35] : memref<1x1xf32, #tpu.memory_space<smem>>
      memref.store %swap3A_33, %arg4[%swap3A_34, %swap3A_35] : memref<1x1xf32, #tpu.memory_space<smem>>
    } else {
    }
    %get3A_17 = arith.constant 0 : index
    %get3A_18 = arith.constant 0 : index
    %get3A_19 = memref.load %arg3[%get3A_17, %get3A_18] : memref<1x1xf32, #tpu.memory_space<smem>>
    %add3A = arith.addf %get3A_19, %reduce_sum3A_9 : f32
    %swap3A = arith.constant 0 : index
    %swap3A_20 = arith.constant 0 : index
    %swap3A_21 = memref.load %arg3[%swap3A, %swap3A_20] : memref<1x1xf32, #tpu.memory_space<smem>>
    memref.store %add3A, %arg3[%swap3A, %swap3A_20] : memref<1x1xf32, #tpu.memory_space<smem>>
    %get3A_22 = arith.constant 0 : index
    %get3A_23 = arith.constant 0 : index
    %get3A_24 = memref.load %arg4[%get3A_22, %get3A_23] : memref<1x1xf32, #tpu.memory_space<smem>>
    %add3A_25 = arith.addf %get3A_24, %reduce_sum3A_14 : f32
    %swap3A_26 = arith.constant 0 : index
    %swap3A_27 = arith.constant 0 : index
    %swap3A_28 = memref.load %arg4[%swap3A_26, %swap3A_27] : memref<1x1xf32, #tpu.memory_space<smem>>
    memref.store %add3A_25, %arg4[%swap3A_26, %swap3A_27] : memref<1x1xf32, #tpu.memory_space<smem>>
    return
  }
  func.func @transform_0(%arg0: i32) -> (i32, i32) {
    %c0_i32 = arith.constant 0 : i32
    %c0_i32_0 = arith.constant 0 : i32
    return %arg0, %c0_i32 : i32, i32
  }
  func.func @transform_1(%arg0: i32) -> (i32, i32) {
    %c0_i32 = arith.constant 0 : i32
    %c0_i32_0 = arith.constant 0 : i32
    return %arg0, %c0_i32 : i32, i32
  }
  func.func @transform_2(%arg0: i32) -> (i32, i32) {
    %c0_i32 = arith.constant 0 : i32
    %c0_i32_0 = arith.constant 0 : i32
    %c0_i32_1 = arith.constant 0 : i32
    return %c0_i32, %c0_i32_0 : i32, i32
  }
  func.func @transform_3(%arg0: i32) -> (i32, i32) {
    %c0_i32 = arith.constant 0 : i32
    %c0_i32_0 = arith.constant 0 : i32
    %c0_i32_1 = arith.constant 0 : i32
    return %c0_i32, %c0_i32_0 : i32, i32
  }
}

module attributes {stable_mosaic.version = 14 : i64} {
  func.func @_normx_body(%arg0: i32, %arg1: memref<2048x256xf32, #tpu.memory_space<vmem>>, %arg2: memref<64x256xf32, #tpu.memory_space<vmem>>, %arg3: memref<1xf32, #tpu.memory_space<smem>>, %arg4: memref<2048x512xf32, #tpu.memory_space<vmem>>) attributes {dimension_semantics = [#tpu.dimension_semantics<arbitrary>], iteration_bounds = array<i64: 64>, scalar_prefetch = 0 : i64, scratch_operands = 0 : i64, tpu.core_type = #tpu.core_type<tc>, window_params = [{transform_indices = @transform_0, window_bounds = array<i64: 2048, 256>}, {transform_indices = @transform_1, window_bounds = array<i64: 64, 256>}, {transform_indices = @transform_2, window_bounds = array<i64: 1>}, {transform_indices = @transform_3, window_bounds = array<i64: 2048, 512>}]} {
    %get3A = arith.constant 0 : index
    %get3A_0 = memref.load %arg3[%get3A] : memref<1xf32, #tpu.memory_space<smem>>
    %get3A_1 = arith.constant 0 : index
    %get3A_2 = arith.constant 0 : index
    %get3A_3 = vector.load %arg1[%get3A_1, %get3A_2] : memref<2048x256xf32, #tpu.memory_space<vmem>>, vector<2048x256xf32>
    %reshape3A = vector.shape_cast %get3A_3 : vector<2048x256xf32> to vector<64x32x256xf32>
    %get3A_4 = arith.constant 0 : index
    %get3A_5 = arith.constant 0 : index
    %get3A_6 = vector.load %arg2[%get3A_4, %get3A_5] : memref<64x256xf32, #tpu.memory_space<vmem>>, vector<64x256xf32>
    %broadcast_in_dim3A = vector.shape_cast %get3A_6 : vector<64x256xf32> to vector<64x1x256xf32>
    %sub3A = vector.broadcast %broadcast_in_dim3A : vector<64x1x256xf32> to vector<64x32x256xf32>
    %sub3A_7 = arith.subf %reshape3A, %sub3A : vector<64x32x256xf32>
    %mul3A = vector.broadcast %get3A_0 : f32 to vector<64x32x256xf32>
    %mul3A_8 = arith.mulf %sub3A_7, %mul3A : vector<64x32x256xf32>
    %reshape3A_9 = vector.shape_cast %mul3A_8 : vector<64x32x256xf32> to vector<2048x256xf32>
    %broadcast_in_dim3A_10 = vector.shape_cast %broadcast_in_dim3A : vector<64x1x256xf32> to vector<64x1x256xf32>
    %broadcast_in_dim3A_11 = vector.broadcast %broadcast_in_dim3A_10 : vector<64x1x256xf32> to vector<64x32x256xf32>
    %reshape3A_12 = vector.shape_cast %broadcast_in_dim3A_11 : vector<64x32x256xf32> to vector<2048x256xf32>
    %swap3A = arith.constant 0 : index
    %swap3A_13 = arith.constant 0 : index
    %swap3A_14 = vector.load %arg4[%swap3A, %swap3A_13] : memref<2048x512xf32, #tpu.memory_space<vmem>>, vector<2048x256xf32>
    tpu.vector_store %arg4[%swap3A, %swap3A_13], %reshape3A_9 {strides = array<i32>} : memref<2048x512xf32, #tpu.memory_space<vmem>>, vector<2048x256xf32>,
    %swap3A_15 = arith.constant 0 : index
    %swap3A_16 = arith.constant 256 : index
    %swap3A_17 = vector.load %arg4[%swap3A_15, %swap3A_16] : memref<2048x512xf32, #tpu.memory_space<vmem>>, vector<2048x256xf32>
    tpu.vector_store %arg4[%swap3A_15, %swap3A_16], %reshape3A_12 {strides = array<i32>} : memref<2048x512xf32, #tpu.memory_space<vmem>>, vector<2048x256xf32>,
    return
  }
  func.func @transform_0(%arg0: i32) -> (i32, i32) {
    %c0_i32 = arith.constant 0 : i32
    %c0_i32_0 = arith.constant 0 : i32
    return %arg0, %c0_i32 : i32, i32
  }
  func.func @transform_1(%arg0: i32) -> (i32, i32) {
    %c0_i32 = arith.constant 0 : i32
    %c0_i32_0 = arith.constant 0 : i32
    return %arg0, %c0_i32 : i32, i32
  }
  func.func @transform_2(%arg0: i32) -> i32 {
    %c0_i32 = arith.constant 0 : i32
    %c0_i32_0 = arith.constant 0 : i32
    return %c0_i32 : i32
  }
  func.func @transform_3(%arg0: i32) -> (i32, i32) {
    %c0_i32 = arith.constant 0 : i32
    %c0_i32_0 = arith.constant 0 : i32
    return %arg0, %c0_i32 : i32, i32
  }
}

</mosaic_0001>

<sc_bundles>
// kernel: kernel.11.cloned.1.call-start
scs
__scs_entry_jumppad:
0x0: {  	(pc) =	sbr.rel $0x88, $3  }
0x1: {  	(tag) =	ssettag $0x0;
	lr =	simm.s32 $0x1  }
0x2: {  	[smem:$0x3F9F] =	sst lr;
	_ =	strace $0xD0000000  }
0x3: {  	_ = 	snop  }
0x4: {  	_ = 	snop  }
0x5: {  	_ = 	snop  }
0x6: {  	_ = 	snop  }
0x7: {  	_ = 	snop  }
__scs_overlays_trampoline_lowered:
0x8: {  	[smem:$0x3FAE] =	sst s0  }
0x9: {  	[smem:$0x3FAF] =	sst s1  }
0xa: {  	[smem:$0x3FB0] =	sst s2  }
0xb: {  	[smem:$0x3FB1] =	sst s3  }
0xc: {  	[smem:$0x3FB2] =	sst s4  }
0xd: {  	[smem:$0x3FB3] =	sst s5  }
0xe: {  	[smem:$0x3FB4] =	sst s6  }
0xf: {  	[smem:$0x3FB5] =	sst s7  }
0x10: {  	[smem:$0x3FB6] =	sst s8  }
0x11: {  	[smem:$0x3FB7] =	sst s9;
	s0 =	simm.s32 @!p0 $0x0  }
0x12: {  	s1 =	sld [smem:$0x3F9D];
	s0 =	simm.s32 @p0 $0x1  }
0x13: {  	[smem:$0x3FB8] =	sst s0;
	s0 =	simm.s32 @!p1 $0x0  }
0x14: {  	s2 =	sld [smem:$0x3F9C];
	s0 =	simm.s32 @p1 $0x1  }
0x15: {  	[smem:$0x3FB9] =	sst s0;
	s0 =	simm.s32 @!p2 $0x0  }
0x16: {  	s3 =	sld [smem:$0x3FDB];
	s0 =	simm.s32 @p2 $0x1  }
0x17: {  	s4 =	simm.s32 $0x1BF5;
	[smem:$0x3FBB] =	sst s0  }
0x18: {  	s0 =	sld [smem:$0x3F9E];
	_ =	swait.ge [sflag:s4], $0x0  }
0x19: {  	s7 =	sld [smem:$0x3F9F]  }
0x1a: {  	s8 =	sadd.s32 $0xFFFFE003, lr  }
0x1b: {  	s9 =	sadd.s32 $0xFFFFFEF7, lr;
	s5 =	simm.s32 $0xFFFFFFFF;
	p2 =	slt.u32 s8, $0xFFFFF086  }
0x1c: {  	p1 =	slt.u32 s9, $0xF7A;
	s5 =	simm.s32 @!p2 $0x0  }
0x1d: {  	s5 =	simm.s32 @p1 $0x1;
	p0 =	seq.s32 s7, s2  }
0x1e: {  	s7 =	smul.u32 @!p0 $0xF7A, s2;
	p2 =	seq.s32 @!p0 s5, $0x0  }
0x1f: {  	s9 =	smul.u32 $0xF7A, s1;
	s8 =	simm.s32 @!p0 $0x1BF5;
	p2 =	por !p2, p0  }
0x20: {  	[sflag:s8] =	ssyncset.s32 @!p0 $0xFFFFF086;
	s6 =	sadd.s32 @!p0 s3, s7;
	s7 =	simm.s32 @!p0 $0x108  }
0x21: {  	s3 =	sadd.s32 s3, s9;
	s6 =	sadd.s32 @!p0 $0x88, s6;
	s7 =	simm.s32 @p2 $0x1082  }
0x22: {  	[simem:s7], [sflag:s8] =	dma.local @!p0 [hbm:s6], $0xF7A  }
0x23: {  	s9 =	sor.u32 $0xD0000000, s2;
	s6 =	simm.s32 $0x108;
	_ =	swait.ge @!p0 [sflag:s8], $0x0  }
0x24: {  	s3 =	sadd.s32 $0x88, s3;
	s6 =	simm.s32 @!p1 $0x1082;
	[sflag:s4] =	ssyncset.s32 $0xFFFFF086  }
0x25: {  	[simem:s6], [sflag:s4] =	dma.local [hbm:s3], $0xF7A  }
0x26: {  	[smem:$0x3F9F] =	sst s1;
	(tag) =	ssettag s2;
	_ =	strace s9  }
0x27: {  	s1 =	sld [smem:$0x3FAF]  }
0x28: {  	s2 =	sld [smem:$0x3FB0]  }
0x29: {  	s4 =	sld [smem:$0x3FB2]  }
0x2a: {  	p0 =	seq.s32 s5, $0x0;
	s5 =	sld [smem:$0x3FB3]  }
0x2b: {  	s6 =	sld [smem:$0x3FB4]  }
0x2c: {  	s7 =	sld [smem:$0x3FB5]  }
0x2d: {  	s3 =	simm.s32 $0x108;
	s8 =	sld [smem:$0x3FB6]  }
0x2e: {  	s3 =	simm.s32 @!p0 $0x1082;
	s9 =	sld [smem:$0x3FB7]  }
0x2f: {  	lr =	sadd.s32 s0, s3;
	s0 =	sld [smem:$0x3FAE]  }
0x30: {  	s3 =	sld [smem:$0x3FB1]  }
0x31: {  	[smem:$0x3FBA] =	sst s10  }
0x32: {  	s10 =	sld [smem:$0x3FB8];
	_ =	sdelay $0x3  }
0x33: {  	p0 =	seq.s32 s10, $0x1;
	s10 =	sld [smem:$0x3FBA];
	_ =	sdelay $0x3  }
0x34: {  	[smem:$0x3FBA] =	sst s10  }
0x35: {  	s10 =	sld [smem:$0x3FB9];
	_ =	sdelay $0x3  }
0x36: {  	p1 =	seq.s32 s10, $0x1;
	s10 =	sld [smem:$0x3FBA];
	_ =	sdelay $0x3  }
0x37: {  	[smem:$0x3FBA] =	sst s10  }
0x38: {  	s10 =	sld [smem:$0x3FBB]  }
0x39: {  	_ = 	snop;
	(pc) =	sbr.ind lr, $3  }
0x3a: {  	_ = 	snop  }
0x3b: {  	_ = 	snop  }
0x3c: {  	p2 =	seq.s32 s10, $0x1;
	s10 =	sld [smem:$0x3FBA]  }
0x3d: {  	_ =	shalt  }
0x3e: {  	_ =	shalt  }
0x3f: {  	_ =	shalt  }
0x40: {  	_ =	shalt  }
0x41: {  	_ =	shalt  }
0x42: {  	_ =	shalt  }
0x43: {  	_ =	shalt  }
0x44: {  	_ =	shalt  }
0x45: {  	_ =	shalt  }
0x46: {  	_ =	shalt  }
0x47: {  	_ =	shalt  }
0x48: {  	_ =	shalt  }
0x49: {  	_ =	shalt  }
0x4a: {  	_ =	shalt  }
0x4b: {  	_ =	shalt  }
0x4c: {  	_ =	shalt  }
0x4d: {  	_ =	shalt  }
0x4e: {  	_ =	shalt  }
0x4f: {  	_ =	shalt  }
0x50: {  	_ =	shalt  }
0x51: {  	_ =	shalt  }
0x52: {  	_ =	shalt  }
0x53: {  	_ =	shalt  }
0x54: {  	_ =	shalt  }
0x55: {  	_ =	shalt  }
0x56: {  	_ =	shalt  }
0x57: {  	_ =	shalt  }
0x58: {  	_ =	shalt  }
0x59: {  	_ =	shalt  }
0x5a: {  	_ =	shalt  }
0x5b: {  	_ =	shalt  }
0x5c: {  	_ =	shalt  }
0x5d: {  	_ =	shalt  }
0x5e: {  	_ =	shalt  }
0x5f: {  	_ =	shalt  }
0x60: {  	_ =	shalt  }
0x61: {  	_ =	shalt  }
0x62: {  	_ =	shalt  }
0x63: {  	_ =	shalt  }
0x64: {  	_ =	shalt  }
0x65: {  	_ =	shalt  }
0x66: {  	_ =	shalt  }
0x67: {  	_ =	shalt  }
0x68: {  	_ =	shalt  }
0x69: {  	_ =	shalt  }
0x6a: {  	_ =	shalt  }
0x6b: {  	_ =	shalt  }
0x6c: {  	_ =	shalt  }
0x6d: {  	_ =	shalt  }
0x6e: {  	_ =	shalt  }
0x6f: {  	_ =	shalt  }
0x70: {  	_ =	shalt  }
0x71: {  	_ =	shalt  }
0x72: {  	_ =	shalt  }
0x73: {  	_ =	shalt  }
0x74: {  	_ =	shalt  }
0x75: {  	_ =	shalt  }
0x76: {  	_ =	shalt  }
0x77: {  	_ =	shalt  }
0x78: {  	_ =	shalt  }
0x79: {  	_ =	shalt  }
0x7a: {  	_ =	shalt  }
0x7b: {  	_ =	shalt  }
0x7c: {  	_ =	shalt  }
0x7d: {  	_ =	shalt  }
0x7e: {  	_ =	shalt  }
0x7f: {  	_ =	shalt  }
0x80: {  	_ =	shalt  }
0x81: {  	_ =	shalt  }
0x82: {  	_ =	shalt  }
0x83: {  	_ =	shalt  }
0x84: {  	_ =	shalt  }
0x85: {  	_ =	shalt  }
0x86: {  	_ =	shalt  }
0x87: {  	_ =	shalt  }
.Lfunc_end0:
.L_simem_size_0:
called_computation_lowered:
.L_overlay_start_0:
0x88: {  	s2 =	sld [smem:$0x3FD9]  }
0x89: {  	s3 =	sld [smem:$0x3FFE];
	_ =	sdelay $0x1  }
0x8a: {  	s1 =	srdreg.scid  }
0x8b: {  	s0 =	sand.u32 $0x1, s1  }
0x8c: {  	s17 =	sshll.u32 s0, $0xA;
	s2 =	sadd.s32 s3, s2  }
0x8d: {  	s2 =	sadd.s32 s2, s17  }
0x8e: {  	[smem:$0x3FC6] =	sst s2  }
0x8f: {  	_ = 	snop  }
0x90: {  	s18 =	sld [smem:$0x3FC8];
	(tm) =	ssettm $0x1  }
0x91: {  	s19 =	sld [smem:$0x3FFB];
	_ =	sdelay $0x3  }
0x92: {  	_ =	strace s19  }
0x93: {  	s2 =	sld [smem:$0x3FFC];
	_ =	sdelay $0x3  }
0x94: {  	_ =	strace s2  }
0x95: {  	s2 =	sld [smem:$0x3FFD];
	_ =	sdelay $0x3  }
0x96: {  	_ =	strace s2  }
0x97: {  	_ =	strace $0x8FFFFFFF  }
0x98: {  	s20 =	sld [smem:$0x3FDB];
	_ =	sdelay $0x1  }
0x99: {  	s4 =	simm.s32 $_scs_section_size  }
0x9a: {  	s5 =	simm.s32 $_size__tile_overlayer_lowered;
	s6 =	simm.s32 $_tile_overlayer_lowered  }
0x9b: {  	s7 =	simm.s32 $0x1BFF;
	s21 =	sshll.u32 s6, $0x1;
	s4 =	sadd.s32 s4, s20  }
0x9c: {  	s22 =	simm.s32 $0x0;
	s5 =	sshll.u32 s5, $0x1;
	s6 =	sadd.s32 s21, s4  }
0x9d: {  	[timem:s22], [sflag:s7] =	dma.local [hbm:s6], s5  }
0x9e: {  	_ =	swait.ge [sflag:s7], s5  }
0x9f: {  	s5 =	ssub.s32 $0x0, s5;
	[sflag:s7] =	ssyncset.done $0x0  }
0xa0: {  	[sflag:s7] =	ssyncadd.s32 s5;
	_ =	sdelay $0x1  }
0xa1: {  	s23 =	simm.s32 $0x1B8B  }
0xa2: {  	_ =	swait.ge [sflag:s23], $0x1  }
0xa3: {  	[sflag:s23] =	ssyncset.done $0x0  }
0xa4: {  	[sflag:s23] =	ssyncadd.s32 $0xFFFFFFFF  }
0xa5: {  	s5 =	sld [smem:$0x0]  }
0xa6: {  	s6 =	sand.u32 $0xFFFFFFFE, s1  }
0xa7: {  	p0 =	sne.s32 s1, s6  }
0xa8: {  	s6 =	sshll.u32 @p0 s6, $0xE  }
0xa9: {  	s6 =	sadd.s32 @p0 $0x11B8D, s6;
	s7 =	sshll.u32 @p0 s5, $0x11  }
0xaa: {  	s6 =	sor.u32 @p0 s7, s6  }
0xab: {  	[sflag:s6] =	ssyncadd.remote.s32 @p0 $0x1;
	_ =	sdelay $0x1  }
0xac: {  	s6 =	simm.s32 @p0 $0x1B8D  }
0xad: {  	_ =	swait.eq @p0 [sflag:s6], $0x1  }
0xae: {  	[sflag:s6] =	ssyncadd.s32 @p0 $0xFFFFFFFF  }
0xaf: {  	s7 =	sshll.u32 @!p0 s1, $0xE  }
0xb0: {  	s7 =	sor.u32 @!p0 $0x4000, s7;
	s6 =	simm.s32 @!p0 $0x1B8D  }
0xb1: {  	s5 =	sshll.u32 @!p0 s5, $0x11;
	s7 =	sadd.s32 @!p0 $0x11B8D, s7;
	_ =	swait.eq @!p0 [sflag:s6], $0x1  }
0xb2: {  	s5 =	sor.u32 @!p0 s5, s7;
	[sflag:s6] =	ssyncadd.s32 @!p0 $0xFFFFFFFF  }
0xb3: {  	s25 =	simm.s32 $0x1B8E;
	s24 =	sld [smem:$0x3FFE];
	[sflag:s5] =	ssyncadd.remote.s32 @!p0 $0x1  }
0xb4: {  	s26 =	simm.s32 $execute0_lowered;
	[smem:$0x3FD2] =	sst s25  }
0xb5: {  	s6 =	sshll.u32 s26, $0x1;
	_ =	strace $0x8000004C;
	[dreg:$0x1] =	wrdreg $0xFFFFFFFF  }
0xb6: {  	s28 =	simm.s32 $_size_execute0_lowered;
	s4 =	sadd.s32 s4, s6;
	[dreg:$0x0] =	wrdreg $0x0  }
0xb7: {  	s6 =	sshll.u32 s28, $0x1;
	[dreg:$0x2] =	wrdreg s4  }
0xb8: {  	[dreg:$0x3] =	wrdreg s6  }
0xb9: {  	[dreg:$0x4] =	wrdreg $0xC0  }
0xba: {  	_ =	task [dreg:s22], $0x5FFFF  }
0xbb: {  	[dreg:$0x1] =	wrdreg $0xFFFFFFFF  }
0xbc: {  	[dreg:$0x0] =	wrdreg $0x60  }
0xbd: {  	[dreg:$0x2] =	wrdreg s18  }
0xbe: {  	[dreg:$0x3] =	wrdreg s24  }
0xbf: {  	[dreg:$0x4] =	wrdreg $0x9  }
0xc0: {  	_ =	task.clear_ibuf [dreg:s22], $0x5FFFF;
	_ =	strace $0x9000004C  }
0xc1: {  	s29 =	simm.s32 $0x9;
	_ =	strace $0x8000004E  }
0xc2: {  	_ =	swait.ge [sflag:s29], $0x1  }
0xc3: {  	[sflag:s29] =	ssyncadd.s32 $0xFFFFFFFF  }
0xc4: {  	_ =	strace $0x9000004E  }
0xc5: {  	_ =	sfence  }
0xc6: {  	s30 =	sld [smem:$0x0];
	_ =	sdelay $0x2  }
0xc7: {  	s31 =	sshll.u32 s1, $0xD;
	s1 =	sshrl.u32 s1, $0x2  }
0xc8: {  	s4 =	sand.u32 $0x4000, s31;
	s1 =	sadd.s32 s1, s30  }
0xc9: {  	s0 =	sor.u32 s4, s0;
	s1 =	sshll.u32 s1, $0x11  }
0xca: {  	s0 =	sor.u32 s1, s0  }
0xcb: {  	s0 =	sadd.s32 $0x8F2B, s0  }
0xcc: {  	[sflag:s0] =	ssyncadd.remote.s32 $0x1  }
0xcd: {  	_ =	sfence.sel $0xFFFF  }
0xce: {  	[dreg:$0x0] =	wrdreg $0xFFFFFFFF;
	(pc) =	sbr.abs _section_cstart, $3  }
0xcf: {  	[dreg:$0x1] =	wrdreg $0xFFFFFFFF  }
0xd0: {  	_ =	task.clear_ibuf [dreg:s22], $0x2FFFF;
	_ =	strace $0x9FFFFFFF  }
0xd1: {  	(tm) =	ssettm $0x7FFFFFFF  }
tec
execute0_lowered:
.L_overlay_start_1:
0x0: {  	(tag) =	ssettag $0x1  }
0x1: {  	s1 =	rddreg [dreg:$0x0]  }
0x2: {  	s4 =	rddreg [dreg:$0x1]  }
0x3: {  	s0 =	rddreg [dreg:$0x2];
	s3 =	simm.s32 $0x0;
	s5 =	srdreg.scid  }
0x4: {  	s2 =	stileid.u32;
	s10 =	simm.s32 $0x2000;
	s11 =	simm.s32 $0x2800  }
0x5: {  	s12 =	simm.s32 $0x3000;
	s13 =	simm.s32 $0x3800;
	s14 =	simm.s32 $0x4000  }
0x6: {  	s15 =	simm.s32 $0x4800;
	s16 =	simm.s32 $0x5000;
	s17 =	simm.s32 $0x5800  }
0x7: {  	s18 =	simm.s32 $0x6000;
	s19 =	simm.s32 $0x6800;
	s21 =	simm.s32 $0x7800  }
0x8: {  	s22 =	simm.s32 $0x8000;
	s23 =	simm.s32 $0x8800;
	s24 =	simm.s32 $0x1  }
0x9: {  	s25 =	simm.s32 $0x0;
	[smem:$0x7FF] =	sst s3;
	s5 =	sand.u32 $0x1, s5  }
0xa: {  	s6 =	sshll.u32 s2, $0xA;
	s29 =	sshll.u32 s2, $0x12;
	s9 =	sshll.u32 s2, $0xB  }
0xb: {  	_ =	strace $0x8000004D;
	s7 =	sshll.u32 s5, $0x9;
	s8 =	ssub.s32 $0x2, s5  }
0xc: {  	s5 =	sshll.u32 s5, $0x11;
	s20 =	sand.u32 $0x6000, s9;
	s9 =	simm.s32 $0x1800  }
0xd: {  	s6 =	sor.u32 s7, s6;
	s7 =	sadd.s32 s29, s4;
	s30 =	sshrl.u32 s8, $0x1  }
0xe: {  	v3 =	vlaneseq.u32;
	v0 =	vmov s20;
	s20 =	simm.s32 $0x7000;
	s6 =	sadd.s32 s6, s4;
	s8 =	ssub.s32 s8, s30  }
0xf: {  	vm0 =	vmmov $0xffff;
	v2 =	vshrl.u32 v3, $0x3;
	s31 =	sadd.s32 s5, s7;
	s7 =	simm.s32 $0x2;
	s4 =	sadd.s32 $0x1C00, s6  }
0x10: {  	v1 =	vand.u32 $0x7, v3;
	v3 =	vor.u32 $0x8, v3;
	v2 =	vmul.u32 $0x8, v2;
	s5 =	smax.u32 s8, $0x1;
	s6 =	sadd.s32 $0x285E00, s31;
	s8 =	simm.s32 $0x1000  }
.LBB2_1:
0x11: {  	[tilespmem:s3], [sflag:$0x2] =	stream.linear.gather [hbm4b:s4+s3], $0x1000, $0x38;
	[tilespmem:$0x9000] =	vst v63  }
0x12: {  	_ =	swait.ge [sflag:s7], $0x1000  }
0x13: {  	[sflag:s7] =	ssyncset.done $0x0  }
0x14: {  	s26 =	simm.s32 $0x0;
	s28 =	simm.s32 $0x40;
	[sflag:s7] =	ssyncadd.s32 $0xFFFFF000  }
.LBB2_2:
0x15: {  	p0 =	sne.s32 s28, $0x3FC0;
	v4 =	vld [tilespmem:s26+$0x0];
	_ =	sdelay $0x1  }
.Ltmp0:
0x16: {  	(pc) =	sbr.rel @p0 .LBB2_2-.Ltmp0, $3  }
0x17: {  	_ =	sdelay $0x1  }
0x18: {  	v4 =	vadd.s32 v0, v4  }
0x19: {  	[tilespmem:s26+$0x0] =	vst v4;
	s26 =	sshra.s32 s28, $0x2;
	s28 =	sadd.s32 $0x40, s28  }
0x1a: {  	v4 =	vld [tilespmem:s26+$0x0];
	_ =	sdelay $0x4  }
0x1b: {  	v4 =	vadd.s32 v0, v4  }
0x1c: {  	s28 =	simm.s32 $0x40;
	[tilespmem:s26+$0x0] =	vst v4;
	s26 =	simm.s32 $0x0  }
.LBB2_4:
0x1d: {  	v4 =	vld [tilespmem:s28+$0xFFFFFFC0];
	_ =	sdelay $0x4  }
0x1e: {  	v5 =	vshll.u32 v4, $0x1  }
0x1f: {  	v4 =	vand.u32 $0x7, v4;
	v5 =	vand.u32 $0xFFFFFFF0, v5  }
0x20: {  	v4 =	vor.u32 v4, v5  }
0x21: {  	v5 =	vperm.xlane v4, v1;
	_ =	sdelay $0x1  }
0x22: {  	v4 =	vperm.xlane v4, v3;
	v5 =	vadd.s32 v2, v5;
	_ =	sdelay $0x1  }
0x23: {  	v4 =	vadd.s32 v2, v4;
	_ =	sdelay $0x2  }
0x24: {  	[tilespmem:s8], [sflag:$0x1] =	stream.indirect_vreg.gather [hbm4b:s1+s3], $0x80, v5, vm0, $0xb8;
	[tilespmem:$0x9000] =	vst v63  }
0x25: {  	_ = 	snop  }
0x26: {  	[tilespmem:s9], [sflag:$0x1] =	stream.indirect_vreg.gather [hbm4b:s1+s3], $0x80, v4, vm0, $0xb8;
	[tilespmem:$0x9000] =	vst v63  }
0x27: {  	v4 =	vld [tilespmem:s28+$0xFFFFFFD0];
	_ =	sdelay $0x4  }
0x28: {  	v5 =	vshll.u32 v4, $0x1  }
0x29: {  	v4 =	vand.u32 $0x7, v4;
	v5 =	vand.u32 $0xFFFFFFF0, v5  }
0x2a: {  	v4 =	vor.u32 v4, v5  }
0x2b: {  	v5 =	vperm.xlane v4, v1;
	_ =	sdelay $0x1  }
0x2c: {  	v4 =	vperm.xlane v4, v3;
	v5 =	vadd.s32 v2, v5;
	_ =	sdelay $0x1  }
0x2d: {  	v4 =	vadd.s32 v2, v4;
	_ =	sdelay $0x2  }
0x2e: {  	[tilespmem:s10], [sflag:$0x1] =	stream.indirect_vreg.gather [hbm4b:s1+s3], $0x80, v5, vm0, $0xb8;
	[tilespmem:$0x9000] =	vst v63  }
0x2f: {  	_ = 	snop  }
0x30: {  	[tilespmem:s11], [sflag:$0x1] =	stream.indirect_vreg.gather [hbm4b:s1+s3], $0x80, v4, vm0, $0xb8;
	[tilespmem:$0x9000] =	vst v63  }
0x31: {  	v4 =	vld [tilespmem:s28+$0xFFFFFFE0];
	_ =	sdelay $0x4  }
0x32: {  	v5 =	vshll.u32 v4, $0x1  }
0x33: {  	v4 =	vand.u32 $0x7, v4;
	v5 =	vand.u32 $0xFFFFFFF0, v5  }
0x34: {  	v4 =	vor.u32 v4, v5  }
0x35: {  	v5 =	vperm.xlane v4, v1;
	_ =	sdelay $0x1  }
0x36: {  	v4 =	vperm.xlane v4, v3;
	v5 =	vadd.s32 v2, v5;
	_ =	sdelay $0x1  }
0x37: {  	v4 =	vadd.s32 v2, v4;
	_ =	sdelay $0x2  }
0x38: {  	[tilespmem:s12], [sflag:$0x1] =	stream.indirect_vreg.gather [hbm4b:s1+s3], $0x80, v5, vm0, $0xb8;
	[tilespmem:$0x9000] =	vst v63  }
0x39: {  	_ = 	snop  }
0x3a: {  	[tilespmem:s13], [sflag:$0x1] =	stream.indirect_vreg.gather [hbm4b:s1+s3], $0x80, v4, vm0, $0xb8;
	[tilespmem:$0x9000] =	vst v63  }
0x3b: {  	v4 =	vld [tilespmem:s28+$0xFFFFFFF0];
	_ =	sdelay $0x4  }
0x3c: {  	v5 =	vshll.u32 v4, $0x1  }
0x3d: {  	v4 =	vand.u32 $0x7, v4;
	v5 =	vand.u32 $0xFFFFFFF0, v5  }
0x3e: {  	v4 =	vor.u32 v4, v5  }
0x3f: {  	v5 =	vperm.xlane v4, v1;
	_ =	sdelay $0x1  }
0x40: {  	v4 =	vperm.xlane v4, v3;
	v5 =	vadd.s32 v2, v5;
	_ =	sdelay $0x1  }
0x41: {  	v4 =	vadd.s32 v2, v4;
	_ =	sdelay $0x2  }
0x42: {  	[tilespmem:s14], [sflag:$0x1] =	stream.indirect_vreg.gather [hbm4b:s1+s3], $0x80, v5, vm0, $0xb8;
	[tilespmem:$0x9000] =	vst v63  }
0x43: {  	_ = 	snop  }
0x44: {  	[tilespmem:s15], [sflag:$0x1] =	stream.indirect_vreg.gather [hbm4b:s1+s3], $0x80, v4, vm0, $0xb8;
	[tilespmem:$0x9000] =	vst v63  }
0x45: {  	v4 =	vld [tilespmem:s28+$0x0];
	_ =	sdelay $0x4  }
0x46: {  	v5 =	vshll.u32 v4, $0x1  }
0x47: {  	v4 =	vand.u32 $0x7, v4;
	v5 =	vand.u32 $0xFFFFFFF0, v5  }
0x48: {  	v4 =	vor.u32 v4, v5  }
0x49: {  	v5 =	vperm.xlane v4, v1;
	_ =	sdelay $0x1  }
0x4a: {  	v4 =	vperm.xlane v4, v3;
	v5 =	vadd.s32 v2, v5;
	_ =	sdelay $0x1  }
0x4b: {  	v4 =	vadd.s32 v2, v4;
	_ =	sdelay $0x2  }
0x4c: {  	[tilespmem:s16], [sflag:$0x1] =	stream.indirect_vreg.gather [hbm4b:s1+s3], $0x80, v5, vm0, $0xb8;
	[tilespmem:$0x9000] =	vst v63  }
0x4d: {  	_ = 	snop  }
0x4e: {  	[tilespmem:s17], [sflag:$0x1] =	stream.indirect_vreg.gather [hbm4b:s1+s3], $0x80, v4, vm0, $0xb8;
	[tilespmem:$0x9000] =	vst v63  }
0x4f: {  	v4 =	vld [tilespmem:s28+$0x10];
	_ =	sdelay $0x4  }
0x50: {  	v5 =	vshll.u32 v4, $0x1  }
0x51: {  	v4 =	vand.u32 $0x7, v4;
	v5 =	vand.u32 $0xFFFFFFF0, v5  }
0x52: {  	v4 =	vor.u32 v4, v5  }
0x53: {  	v5 =	vperm.xlane v4, v1;
	_ =	sdelay $0x1  }
0x54: {  	v4 =	vperm.xlane v4, v3;
	v5 =	vadd.s32 v2, v5;
	_ =	sdelay $0x1  }
0x55: {  	v4 =	vadd.s32 v2, v4;
	_ =	sdelay $0x2  }
0x56: {  	[tilespmem:s18], [sflag:$0x1] =	stream.indirect_vreg.gather [hbm4b:s1+s3], $0x80, v5, vm0, $0xb8;
	[tilespmem:$0x9000] =	vst v63  }
0x57: {  	_ = 	snop  }
0x58: {  	[tilespmem:s19], [sflag:$0x1] =	stream.indirect_vreg.gather [hbm4b:s1+s3], $0x80, v4, vm0, $0xb8;
	[tilespmem:$0x9000] =	vst v63  }
0x59: {  	v4 =	vld [tilespmem:s28+$0x20];
	_ =	sdelay $0x4  }
0x5a: {  	v5 =	vshll.u32 v4, $0x1  }
0x5b: {  	v4 =	vand.u32 $0x7, v4;
	v5 =	vand.u32 $0xFFFFFFF0, v5  }
0x5c: {  	v4 =	vor.u32 v4, v5  }
0x5d: {  	v5 =	vperm.xlane v4, v1;
	_ =	sdelay $0x1  }
0x5e: {  	v4 =	vperm.xlane v4, v3;
	v5 =	vadd.s32 v2, v5;
	_ =	sdelay $0x1  }
0x5f: {  	v4 =	vadd.s32 v2, v4;
	_ =	sdelay $0x2  }
0x60: {  	[tilespmem:s20], [sflag:$0x1] =	stream.indirect_vreg.gather [hbm4b:s1+s3], $0x80, v5, vm0, $0xb8;
	[tilespmem:$0x9000] =	vst v63  }
0x61: {  	_ = 	snop  }
0x62: {  	[tilespmem:s21], [sflag:$0x1] =	stream.indirect_vreg.gather [hbm4b:s1+s3], $0x80, v4, vm0, $0xb8;
	[tilespmem:$0x9000] =	vst v63  }
0x63: {  	v4 =	vld [tilespmem:s28+$0x30];
	_ =	sdelay $0x4  }
0x64: {  	v5 =	vshll.u32 v4, $0x1  }
0x65: {  	v4 =	vand.u32 $0x7, v4;
	v5 =	vand.u32 $0xFFFFFFF0, v5  }
0x66: {  	v4 =	vor.u32 v4, v5  }
0x67: {  	v5 =	vperm.xlane v4, v1;
	_ =	sdelay $0x1  }
0x68: {  	v4 =	vperm.xlane v4, v3;
	v5 =	vadd.s32 v2, v5;
	_ =	sdelay $0x1  }
0x69: {  	v4 =	vadd.s32 v2, v4;
	_ =	sdelay $0x2  }
0x6a: {  	[tilespmem:s22], [sflag:$0x1] =	stream.indirect_vreg.gather [hbm4b:s1+s3], $0x80, v5, vm0, $0xb8;
	[tilespmem:$0x9000] =	vst v63  }
0x6b: {  	_ = 	snop  }
0x6c: {  	[tilespmem:s23], [sflag:$0x1] =	stream.indirect_vreg.gather [hbm4b:s1+s3], $0x80, v4, vm0, $0xb8;
	[tilespmem:$0x9000] =	vst v63  }
0x6d: {  	_ =	swait.ge [sflag:s24], $0x8000  }
0x6e: {  	p0 =	sne.s32 s26, $0x1F000;
	[sflag:s24] =	ssyncset.done $0x0  }
.Ltmp1:
0x6f: {  	s29 =	sadd.s32 s26, s6;
	[sflag:s24] =	ssyncadd.s32 $0xFFFF8000;
	(pc) =	sbr.rel @p0 .LBB2_4-.Ltmp1, $4  }
0x70: {  	[hbm4b:s29+s3] =	stream.linear.scatter [tilespmem:s8], [sflag:$0x2], $0x8000, $0x38;
	[tilespmem:$0x9000] =	vst v63  }
0x71: {  	_ =	swait.ge [sflag:s7], $0x8000  }
0x72: {  	[sflag:s7] =	ssyncset.done $0x0  }
0x73: {  	s26 =	sadd.s32 $0x1000, s26;
	s28 =	sadd.s32 $0x80, s28;
	[sflag:s7] =	ssyncadd.s32 $0xFFFF8000  }
0x74: {  	s25 =	sadd.s32 $0x1, s25  }
0x75: {  	p0 =	sne.s32 s25, s5  }
.Ltmp2:
0x76: {  	_ = 	snop;
	(pc) =	sbr.rel @p0 .LBB2_1-.Ltmp2, $1  }
0x77: {  	_ =	sdelay $0x3  }
0x78: {  	_ =	sfence.sel $0x180000  }
0x79: {  	[bflag:$0x0] =	sbarrier.arrive $0xFFFF  }
0x7a: {  	p0 =	sne.s32 s2, $0x0;
	_ =	strace $0x9000004D  }
0x7b: {  	s0 =	sadd.s32 @!p0 $0x100000, s0;
	[bflag:$0x2] =	sbarrier.arrive $0xFFFF  }
0x7c: {  	[sflag:s0] =	ssyncadd.tile.s32 @!p0 $0x1;
	_ =	shalt  }
.Lfunc_end2:
_tile_overlayer_lowered:
.L_overlay_start_2:
0x7d: {  	(tag) =	ssettag $0x2  }
0x7e: {  	s0 =	rddreg [dreg:$0x0];
	s2 =	stileid.u32  }
0x7f: {  	s1 =	rddreg [dreg:$0x1];
	p0 =	sne.s32 s2, $0x0  }
0x80: {  	s3 =	rddreg [dreg:$0x2];
	[bflag:$0x3] =	sbarrier.arrive $0xFFFF;
	s2 =	simm.s32 @!p0 $0x1C02  }
0x81: {  	[timem:s3], [sflag:s2] =	dma.local @!p0 [hbm:s0], s1  }
0x82: {  	s0 =	simm.s32 @!p0 $0x2  }
0x83: {  	_ =	swait.ge @!p0 [sflag:s0], s1  }
0x84: {  	s1 =	ssub.s32 @!p0 $0x0, s1;
	[sflag:s0] =	ssyncset.done @!p0 $0x0  }
0x85: {  	[sflag:s0] =	ssyncadd.s32 @!p0 s1  }
0x86: {  	[bflag:$0x3] =	sbarrier.arrive $0xFFFF  }
0x87: {  	_ =	shalt  }

// kernel: kernel.14.cloned.1.call-start
scs
__scs_entry_jumppad:
0x0: {  	(pc) =	sbr.rel $0x88, $3  }
0x1: {  	(tag) =	ssettag $0x0;
	lr =	simm.s32 $0x1  }
0x2: {  	[smem:$0x3F9F] =	sst lr;
	_ =	strace $0xD0000000  }
0x3: {  	_ = 	snop  }
0x4: {  	_ = 	snop  }
0x5: {  	_ = 	snop  }
0x6: {  	_ = 	snop  }
0x7: {  	_ = 	snop  }
__scs_overlays_trampoline_lowered:
0x8: {  	[smem:$0x3FAE] =	sst s0  }
0x9: {  	[smem:$0x3FAF] =	sst s1  }
0xa: {  	[smem:$0x3FB0] =	sst s2  }
0xb: {  	[smem:$0x3FB1] =	sst s3  }
0xc: {  	[smem:$0x3FB2] =	sst s4  }
0xd: {  	[smem:$0x3FB3] =	sst s5  }
0xe: {  	[smem:$0x3FB4] =	sst s6  }
0xf: {  	[smem:$0x3FB5] =	sst s7  }
0x10: {  	[smem:$0x3FB6] =	sst s8  }
0x11: {  	[smem:$0x3FB7] =	sst s9;
	s0 =	simm.s32 @!p0 $0x0  }
0x12: {  	s1 =	sld [smem:$0x3F9D];
	s0 =	simm.s32 @p0 $0x1  }
0x13: {  	[smem:$0x3FB8] =	sst s0;
	s0 =	simm.s32 @!p1 $0x0  }
0x14: {  	s2 =	sld [smem:$0x3F9C];
	s0 =	simm.s32 @p1 $0x1  }
0x15: {  	[smem:$0x3FB9] =	sst s0;
	s0 =	simm.s32 @!p2 $0x0  }
0x16: {  	s3 =	sld [smem:$0x3FDB];
	s0 =	simm.s32 @p2 $0x1  }
0x17: {  	s4 =	simm.s32 $0x1BF5;
	[smem:$0x3FBB] =	sst s0  }
0x18: {  	s0 =	sld [smem:$0x3F9E];
	_ =	swait.ge [sflag:s4], $0x0  }
0x19: {  	s7 =	sld [smem:$0x3F9F]  }
0x1a: {  	s8 =	sadd.s32 $0xFFFFE003, lr  }
0x1b: {  	s9 =	sadd.s32 $0xFFFFFEF7, lr;
	s5 =	simm.s32 $0xFFFFFFFF;
	p2 =	slt.u32 s8, $0xFFFFF086  }
0x1c: {  	p1 =	slt.u32 s9, $0xF7A;
	s5 =	simm.s32 @!p2 $0x0  }
0x1d: {  	s5 =	simm.s32 @p1 $0x1;
	p0 =	seq.s32 s7, s2  }
0x1e: {  	s7 =	smul.u32 @!p0 $0xF7A, s2;
	p2 =	seq.s32 @!p0 s5, $0x0  }
0x1f: {  	s9 =	smul.u32 $0xF7A, s1;
	s8 =	simm.s32 @!p0 $0x1BF5;
	p2 =	por !p2, p0  }
0x20: {  	[sflag:s8] =	ssyncset.s32 @!p0 $0xFFFFF086;
	s6 =	sadd.s32 @!p0 s3, s7;
	s7 =	simm.s32 @!p0 $0x108  }
0x21: {  	s3 =	sadd.s32 s3, s9;
	s6 =	sadd.s32 @!p0 $0x88, s6;
	s7 =	simm.s32 @p2 $0x1082  }
0x22: {  	[simem:s7], [sflag:s8] =	dma.local @!p0 [hbm:s6], $0xF7A  }
0x23: {  	s9 =	sor.u32 $0xD0000000, s2;
	s6 =	simm.s32 $0x108;
	_ =	swait.ge @!p0 [sflag:s8], $0x0  }
0x24: {  	s3 =	sadd.s32 $0x88, s3;
	s6 =	simm.s32 @!p1 $0x1082;
	[sflag:s4] =	ssyncset.s32 $0xFFFFF086  }
0x25: {  	[simem:s6], [sflag:s4] =	dma.local [hbm:s3], $0xF7A  }
0x26: {  	[smem:$0x3F9F] =	sst s1;
	(tag) =	ssettag s2;
	_ =	strace s9  }
0x27: {  	s1 =	sld [smem:$0x3FAF]  }
0x28: {  	s2 =	sld [smem:$0x3FB0]  }
0x29: {  	s4 =	sld [smem:$0x3FB2]  }
0x2a: {  	p0 =	seq.s32 s5, $0x0;
	s5 =	sld [smem:$0x3FB3]  }
0x2b: {  	s6 =	sld [smem:$0x3FB4]  }
0x2c: {  	s7 =	sld [smem:$0x3FB5]  }
0x2d: {  	s3 =	simm.s32 $0x108;
	s8 =	sld [smem:$0x3FB6]  }
0x2e: {  	s3 =	simm.s32 @!p0 $0x1082;
	s9 =	sld [smem:$0x3FB7]  }
0x2f: {  	lr =	sadd.s32 s0, s3;
	s0 =	sld [smem:$0x3FAE]  }
0x30: {  	s3 =	sld [smem:$0x3FB1]  }
0x31: {  	[smem:$0x3FBA] =	sst s10  }
0x32: {  	s10 =	sld [smem:$0x3FB8];
	_ =	sdelay $0x3  }
0x33: {  	p0 =	seq.s32 s10, $0x1;
	s10 =	sld [smem:$0x3FBA];
	_ =	sdelay $0x3  }
0x34: {  	[smem:$0x3FBA] =	sst s10  }
0x35: {  	s10 =	sld [smem:$0x3FB9];
	_ =	sdelay $0x3  }
0x36: {  	p1 =	seq.s32 s10, $0x1;
	s10 =	sld [smem:$0x3FBA];
	_ =	sdelay $0x3  }
0x37: {  	[smem:$0x3FBA] =	sst s10  }
0x38: {  	s10 =	sld [smem:$0x3FBB]  }
0x39: {  	_ = 	snop;
	(pc) =	sbr.ind lr, $3  }
0x3a: {  	_ = 	snop  }
0x3b: {  	_ = 	snop  }
0x3c: {  	p2 =	seq.s32 s10, $0x1;
	s10 =	sld [smem:$0x3FBA]  }
0x3d: {  	_ =	shalt  }
0x3e: {  	_ =	shalt  }
0x3f: {  	_ =	shalt  }
0x40: {  	_ =	shalt  }
0x41: {  	_ =	shalt  }
0x42: {  	_ =	shalt  }
0x43: {  	_ =	shalt  }
0x44: {  	_ =	shalt  }
0x45: {  	_ =	shalt  }
0x46: {  	_ =	shalt  }
0x47: {  	_ =	shalt  }
0x48: {  	_ =	shalt  }
0x49: {  	_ =	shalt  }
0x4a: {  	_ =	shalt  }
0x4b: {  	_ =	shalt  }
0x4c: {  	_ =	shalt  }
0x4d: {  	_ =	shalt  }
0x4e: {  	_ =	shalt  }
0x4f: {  	_ =	shalt  }
0x50: {  	_ =	shalt  }
0x51: {  	_ =	shalt  }
0x52: {  	_ =	shalt  }
0x53: {  	_ =	shalt  }
0x54: {  	_ =	shalt  }
0x55: {  	_ =	shalt  }
0x56: {  	_ =	shalt  }
0x57: {  	_ =	shalt  }
0x58: {  	_ =	shalt  }
0x59: {  	_ =	shalt  }
0x5a: {  	_ =	shalt  }
0x5b: {  	_ =	shalt  }
0x5c: {  	_ =	shalt  }
0x5d: {  	_ =	shalt  }
0x5e: {  	_ =	shalt  }
0x5f: {  	_ =	shalt  }
0x60: {  	_ =	shalt  }
0x61: {  	_ =	shalt  }
0x62: {  	_ =	shalt  }
0x63: {  	_ =	shalt  }
0x64: {  	_ =	shalt  }
0x65: {  	_ =	shalt  }
0x66: {  	_ =	shalt  }
0x67: {  	_ =	shalt  }
0x68: {  	_ =	shalt  }
0x69: {  	_ =	shalt  }
0x6a: {  	_ =	shalt  }
0x6b: {  	_ =	shalt  }
0x6c: {  	_ =	shalt  }
0x6d: {  	_ =	shalt  }
0x6e: {  	_ =	shalt  }
0x6f: {  	_ =	shalt  }
0x70: {  	_ =	shalt  }
0x71: {  	_ =	shalt  }
0x72: {  	_ =	shalt  }
0x73: {  	_ =	shalt  }
0x74: {  	_ =	shalt  }
0x75: {  	_ =	shalt  }
0x76: {  	_ =	shalt  }
0x77: {  	_ =	shalt  }
0x78: {  	_ =	shalt  }
0x79: {  	_ =	shalt  }
0x7a: {  	_ =	shalt  }
0x7b: {  	_ =	shalt  }
0x7c: {  	_ =	shalt  }
0x7d: {  	_ =	shalt  }
0x7e: {  	_ =	shalt  }
0x7f: {  	_ =	shalt  }
0x80: {  	_ =	shalt  }
0x81: {  	_ =	shalt  }
0x82: {  	_ =	shalt  }
0x83: {  	_ =	shalt  }
0x84: {  	_ =	shalt  }
0x85: {  	_ =	shalt  }
0x86: {  	_ =	shalt  }
0x87: {  	_ =	shalt  }
.Lfunc_end0:
.L_simem_size_0:
called_computation.1_lowered:
.L_overlay_start_0:
0x88: {  	s2 =	sld [smem:$0x3FD9]  }
0x89: {  	s3 =	sld [smem:$0x3FFE];
	_ =	sdelay $0x1  }
0x8a: {  	s1 =	srdreg.scid  }
0x8b: {  	s0 =	sand.u32 $0x1, s1  }
0x8c: {  	s15 =	sshll.u32 s0, $0xA;
	s2 =	sadd.s32 s3, s2  }
0x8d: {  	s2 =	sadd.s32 s2, s15  }
0x8e: {  	[smem:$0x3FC6] =	sst s2  }
0x8f: {  	_ = 	snop  }
0x90: {  	s16 =	sld [smem:$0x3FD0];
	_ =	sdelay $0x2  }
0x91: {  	s4 =	simm.s32 $0xC;
	s5 =	simm.s32 $0x10;
	s2 =	sld [smem:$0x3FC8]  }
0x92: {  	[smem:s5], [sflag:s4] =	dma.local [hbm:s16], $0x1  }
0x93: {  	_ =	swait.eq [sflag:s4], $0x1  }
0x94: {  	[sflag:s4] =	ssyncset.done $0x0  }
0x95: {  	[sflag:s4] =	ssyncadd.s32 $0xFFFFFFFF  }
0x96: {  	s17 =	sld [smem:$0x11];
	(tm) =	ssettm $0x1  }
0x97: {  	s18 =	sld [smem:$0x3FFB];
	_ =	sdelay $0x3  }
0x98: {  	_ =	strace s18  }
0x99: {  	s3 =	sld [smem:$0x3FFC];
	_ =	sdelay $0x3  }
0x9a: {  	_ =	strace s3  }
0x9b: {  	s3 =	sld [smem:$0x3FFD];
	_ =	sdelay $0x3  }
0x9c: {  	_ =	strace s3  }
0x9d: {  	_ =	strace $0x8FFFFFFF  }
0x9e: {  	s19 =	sld [smem:$0x3FDB];
	_ =	sdelay $0x1  }
0x9f: {  	s20 =	simm.s32 $_scs_section_size  }
0xa0: {  	s6 =	simm.s32 $_size__tile_overlayer_lowered;
	s7 =	simm.s32 $_tile_overlayer_lowered  }
0xa1: {  	s8 =	simm.s32 $0x1BFF;
	s21 =	sshll.u32 s7, $0x1;
	s5 =	sadd.s32 s20, s19  }
0xa2: {  	s22 =	simm.s32 $0x0;
	s6 =	sshll.u32 s6, $0x1;
	s7 =	sadd.s32 s21, s5  }
0xa3: {  	[timem:s22], [sflag:s8] =	dma.local [hbm:s7], s6  }
0xa4: {  	_ =	swait.ge [sflag:s8], s6  }
0xa5: {  	s6 =	ssub.s32 $0x0, s6;
	[sflag:s8] =	ssyncset.done $0x0  }
0xa6: {  	[sflag:s8] =	ssyncadd.s32 s6;
	_ =	sdelay $0x1  }
0xa7: {  	s23 =	simm.s32 $0x1B8B  }
0xa8: {  	_ =	swait.ge [sflag:s23], $0x1  }
0xa9: {  	[sflag:s23] =	ssyncset.done $0x0  }
0xaa: {  	[sflag:s23] =	ssyncadd.s32 $0xFFFFFFFF  }
0xab: {  	s6 =	sld [smem:$0x0]  }
0xac: {  	s7 =	sand.u32 $0xFFFFFFFE, s1  }
0xad: {  	p0 =	sne.s32 s1, s7  }
0xae: {  	s7 =	sshll.u32 @p0 s7, $0xE  }
0xaf: {  	s7 =	sadd.s32 @p0 $0x11B8D, s7;
	s8 =	sshll.u32 @p0 s6, $0x11  }
0xb0: {  	s7 =	sor.u32 @p0 s8, s7  }
0xb1: {  	[sflag:s7] =	ssyncadd.remote.s32 @p0 $0x1;
	_ =	sdelay $0x1  }
0xb2: {  	s7 =	simm.s32 @p0 $0x1B8D  }
0xb3: {  	_ =	swait.eq @p0 [sflag:s7], $0x1  }
0xb4: {  	[sflag:s7] =	ssyncadd.s32 @p0 $0xFFFFFFFF  }
0xb5: {  	s8 =	sshll.u32 @!p0 s1, $0xE  }
0xb6: {  	s8 =	sor.u32 @!p0 $0x4000, s8;
	s7 =	simm.s32 @!p0 $0x1B8D  }
0xb7: {  	s6 =	sshll.u32 @!p0 s6, $0x11;
	s8 =	sadd.s32 @!p0 $0x11B8D, s8;
	_ =	swait.eq @!p0 [sflag:s7], $0x1  }
0xb8: {  	s6 =	sor.u32 @!p0 s6, s8;
	[sflag:s7] =	ssyncadd.s32 @!p0 $0xFFFFFFFF  }
0xb9: {  	s25 =	simm.s32 $0x1B8E;
	s24 =	sld [smem:$0x3FFE];
	[sflag:s6] =	ssyncadd.remote.s32 @!p0 $0x1  }
0xba: {  	s26 =	simm.s32 $execute0_lowered;
	[smem:$0x3FD2] =	sst s25  }
0xbb: {  	s7 =	sshll.u32 s26, $0x1;
	_ =	strace $0x80000049;
	[dreg:$0x1] =	wrdreg $0xFFFFFFFF  }
0xbc: {  	s28 =	simm.s32 $_size_execute0_lowered;
	s5 =	sadd.s32 s5, s7;
	[dreg:$0x0] =	wrdreg $0x0  }
0xbd: {  	s7 =	sshll.u32 s28, $0x1;
	[dreg:$0x2] =	wrdreg s5  }
0xbe: {  	[dreg:$0x3] =	wrdreg s7  }
0xbf: {  	[dreg:$0x4] =	wrdreg $0xC0  }
0xc0: {  	_ =	task [dreg:s22], $0x5FFFF  }
0xc1: {  	[dreg:$0x1] =	wrdreg $0xFFFFFFFF  }
0xc2: {  	[dreg:$0x0] =	wrdreg $0x60  }
0xc3: {  	[dreg:$0x2] =	wrdreg s2  }
0xc4: {  	[dreg:$0x3] =	wrdreg s24  }
0xc5: {  	[dreg:$0x4] =	wrdreg s17  }
0xc6: {  	[dreg:$0x5] =	wrdreg $0xA  }
0xc7: {  	_ =	task.clear_ibuf [dreg:s22], $0x6FFFF;
	_ =	strace $0x90000049  }
0xc8: {  	s29 =	simm.s32 $0xA;
	_ =	strace $0x8000004B  }
0xc9: {  	_ =	swait.ge [sflag:s29], $0x1  }
0xca: {  	[sflag:s29] =	ssyncadd.s32 $0xFFFFFFFF  }
0xcb: {  	_ =	strace $0x9000004B  }
0xcc: {  	_ =	sfence  }
0xcd: {  	s30 =	sld [smem:$0x0];
	_ =	sdelay $0x2  }
0xce: {  	s31 =	sshll.u32 s1, $0xD;
	s1 =	sshrl.u32 s1, $0x2  }
0xcf: {  	s4 =	sand.u32 $0x4000, s31;
	s1 =	sadd.s32 s1, s30  }
0xd0: {  	s0 =	sor.u32 s4, s0;
	s1 =	sshll.u32 s1, $0x11  }
0xd1: {  	s0 =	sor.u32 s1, s0  }
0xd2: {  	s0 =	sadd.s32 $0x8F2B, s0  }
0xd3: {  	[sflag:s0] =	ssyncadd.remote.s32 $0x1  }
0xd4: {  	_ =	sfence.sel $0xFFFF  }
0xd5: {  	[dreg:$0x0] =	wrdreg $0xFFFFFFFF;
	(pc) =	sbr.abs _section_cstart, $3  }
0xd6: {  	[dreg:$0x1] =	wrdreg $0xFFFFFFFF  }
0xd7: {  	_ =	task.clear_ibuf [dreg:s22], $0x2FFFF;
	_ =	strace $0x9FFFFFFF  }
0xd8: {  	(tm) =	ssettm $0x7FFFFFFF  }
0xd9: {  	_ =	shalt  }
tec
execute0_lowered:
.L_overlay_start_1:
0x0: {  	(tag) =	ssettag $0x1  }
0x1: {  	s2 =	rddreg [dreg:$0x0]  }
0x2: {  	s4 =	rddreg [dreg:$0x1]  }
0x3: {  	s5 =	rddreg [dreg:$0x2]  }
0x4: {  	s3 =	srdreg.scid;
	s1 =	stileid.u32  }
0x5: {  	s0 =	rddreg [dreg:$0x3];
	s10 =	simm.s32 $0x1080;
	s11 =	simm.s32 $0x1880  }
0x6: {  	s12 =	simm.s32 $0x2080;
	s13 =	simm.s32 $0x2880;
	s14 =	simm.s32 $0x3080  }
0x7: {  	s15 =	simm.s32 $0x3880;
	s16 =	simm.s32 $0x4080;
	s17 =	simm.s32 $0x4880  }
0x8: {  	s18 =	simm.s32 $0x5080;
	s20 =	simm.s32 $0x6080;
	s21 =	simm.s32 $0x6880  }
0x9: {  	s22 =	simm.s32 $0x7080;
	s23 =	simm.s32 $0x7880;
	s24 =	simm.s32 $0x1  }
0xa: {  	s6 =	sand.u32 $0x1, s3;
	s7 =	sshll.u32 s1, $0x1;
	s3 =	simm.s32 $0x0  }
0xb: {  	s31 =	sshll.u32 s1, $0xB;
	s7 =	sor.u32 s6, s7;
	s6 =	ssub.s32 $0x2, s6  }
0xc: {  	[smem:$0x7FF] =	sst s3;
	s19 =	sand.u32 $0x6000, s31;
	s8 =	sshll.u32 s7, $0x4  }
0xd: {  	s9 =	sshrl.u32 s6, $0x1;
	_ =	strace $0x8000004A;
	s7 =	sshll.u32 s7, $0xC  }
0xe: {  	v3 =	vlaneseq.u32;
	v0 =	vmov s19;
	s19 =	simm.s32 $0x5880;
	s4 =	sadd.s32 s8, s4;
	s6 =	ssub.s32 s6, s9  }
0xf: {  	vm0 =	vmmov $0xffff;
	v2 =	vshrl.u32 v3, $0x3;
	s5 =	sadd.s32 s5, s7;
	s7 =	simm.s32 $0x2;
	s8 =	simm.s32 $0x80  }
0x10: {  	v1 =	vand.u32 $0x7, v3;
	v3 =	vor.u32 $0x8, v3;
	v2 =	vmul.u32 $0x8, v2;
	s9 =	simm.s32 $0x880;
	s4 =	sadd.s32 $0x285C00, s4;
	s6 =	smax.u32 s6, $0x1  }
.LBB2_1:
0x11: {  	[tilespmem:s3], [sflag:$0x2] =	stream.linear.gather [hbm4b:s4+s3], $0x80, $0x38;
	[tilespmem:$0x8080] =	vst v63  }
0x12: {  	_ =	swait.ge [sflag:s7], $0x80  }
0x13: {  	[sflag:s7] =	ssyncset.done $0x0  }
0x14: {  	[sflag:s7] =	ssyncadd.s32 $0xFFFFFF80  }
0x15: {  	v4 =	vld [tilespmem:$0x0];
	_ =	sdelay $0x2  }
0x16: {  	v5 =	vld [tilespmem:$0x10]  }
0x17: {  	v6 =	vld [tilespmem:$0x20]  }
0x18: {  	v8 =	vld [tilespmem:$0x30];
	v7 =	vadd.s32 v0, v4  }
0x19: {  	v9 =	vld [tilespmem:$0x40];
	v10 =	vshll.u32 v7, $0x1  }
0x1a: {  	v11 =	vld [tilespmem:$0x50];
	v4 =	vand.u32 $0x7, v4;
	v10 =	vand.u32 $0xFFFFFFF0, v10  }
0x1b: {  	v61 =	vld [tilespmem:$0x60];
	v5 =	vadd.s32 v0, v5;
	[tilespmem:$0x0] =	vst v7;
	v4 =	vor.u32 v4, v10  }
0x1c: {  	v62 =	vld [tilespmem:$0x70];
	[tilespmem:$0x10] =	vst v5;
	v5 =	vadd.s32 v0, v6;
	v10 =	vperm.xlane v4, v1  }
0x1d: {  	[tilespmem:$0x20] =	vst v5;
	v5 =	vadd.s32 v0, v8  }
0x1e: {  	[tilespmem:$0x30] =	vst v5;
	v5 =	vadd.s32 v0, v9;
	v4 =	vperm.xlane v4, v3;
	v63 =	vadd.s32 v2, v10  }
0x1f: {  	[tilespmem:$0x40] =	vst v5;
	v5 =	vadd.s32 v0, v11  }
0x20: {  	[tilespmem:$0x50] =	vst v5;
	v5 =	vadd.s32 v0, v61;
	v4 =	vadd.s32 v2, v4  }
0x21: {  	[tilespmem:$0x60] =	vst v5;
	v5 =	vadd.s32 v0, v62  }
0x22: {  	[tilespmem:$0x70] =	vst v5  }
0x23: {  	[tilespmem:s8], [sflag:$0x1] =	stream.indirect_vreg.gather [hbm4b:s2+s3], $0x80, v63, vm0, $0xb8;
	[tilespmem:$0x8080] =	vst v63  }
0x24: {  	_ = 	snop  }
0x25: {  	[tilespmem:s9], [sflag:$0x1] =	stream.indirect_vreg.gather [hbm4b:s2+s3], $0x80, v4, vm0, $0xb8;
	[tilespmem:$0x8080] =	vst v63  }
0x26: {  	v4 =	vld [tilespmem:$0x10];
	_ =	sdelay $0x4  }
0x27: {  	v5 =	vshll.u32 v4, $0x1  }
0x28: {  	v4 =	vand.u32 $0x7, v4;
	v5 =	vand.u32 $0xFFFFFFF0, v5  }
0x29: {  	v4 =	vor.u32 v4, v5  }
0x2a: {  	v5 =	vperm.xlane v4, v1;
	_ =	sdelay $0x1  }
0x2b: {  	v4 =	vperm.xlane v4, v3;
	v5 =	vadd.s32 v2, v5;
	_ =	sdelay $0x1  }
0x2c: {  	v4 =	vadd.s32 v2, v4;
	_ =	sdelay $0x2  }
0x2d: {  	[tilespmem:s10], [sflag:$0x1] =	stream.indirect_vreg.gather [hbm4b:s2+s3], $0x80, v5, vm0, $0xb8;
	[tilespmem:$0x8080] =	vst v63  }
0x2e: {  	_ = 	snop  }
0x2f: {  	[tilespmem:s11], [sflag:$0x1] =	stream.indirect_vreg.gather [hbm4b:s2+s3], $0x80, v4, vm0, $0xb8;
	[tilespmem:$0x8080] =	vst v63  }
0x30: {  	v4 =	vld [tilespmem:$0x20];
	_ =	sdelay $0x4  }
0x31: {  	v5 =	vshll.u32 v4, $0x1  }
0x32: {  	v4 =	vand.u32 $0x7, v4;
	v5 =	vand.u32 $0xFFFFFFF0, v5  }
0x33: {  	v4 =	vor.u32 v4, v5  }
0x34: {  	v5 =	vperm.xlane v4, v1;
	_ =	sdelay $0x1  }
0x35: {  	v4 =	vperm.xlane v4, v3;
	v5 =	vadd.s32 v2, v5;
	_ =	sdelay $0x1  }
0x36: {  	v4 =	vadd.s32 v2, v4;
	_ =	sdelay $0x2  }
0x37: {  	[tilespmem:s12], [sflag:$0x1] =	stream.indirect_vreg.gather [hbm4b:s2+s3], $0x80, v5, vm0, $0xb8;
	[tilespmem:$0x8080] =	vst v63  }
0x38: {  	_ = 	snop  }
0x39: {  	[tilespmem:s13], [sflag:$0x1] =	stream.indirect_vreg.gather [hbm4b:s2+s3], $0x80, v4, vm0, $0xb8;
	[tilespmem:$0x8080] =	vst v63  }
0x3a: {  	v4 =	vld [tilespmem:$0x30];
	_ =	sdelay $0x4  }
0x3b: {  	v5 =	vshll.u32 v4, $0x1  }
0x3c: {  	v4 =	vand.u32 $0x7, v4;
	v5 =	vand.u32 $0xFFFFFFF0, v5  }
0x3d: {  	v4 =	vor.u32 v4, v5  }
0x3e: {  	v5 =	vperm.xlane v4, v1;
	_ =	sdelay $0x1  }
0x3f: {  	v4 =	vperm.xlane v4, v3;
	v5 =	vadd.s32 v2, v5;
	_ =	sdelay $0x1  }
0x40: {  	v4 =	vadd.s32 v2, v4;
	_ =	sdelay $0x2  }
0x41: {  	[tilespmem:s14], [sflag:$0x1] =	stream.indirect_vreg.gather [hbm4b:s2+s3], $0x80, v5, vm0, $0xb8;
	[tilespmem:$0x8080] =	vst v63  }
0x42: {  	_ = 	snop  }
0x43: {  	[tilespmem:s15], [sflag:$0x1] =	stream.indirect_vreg.gather [hbm4b:s2+s3], $0x80, v4, vm0, $0xb8;
	[tilespmem:$0x8080] =	vst v63  }
0x44: {  	v4 =	vld [tilespmem:$0x40];
	_ =	sdelay $0x4  }
0x45: {  	v5 =	vshll.u32 v4, $0x1  }
0x46: {  	v4 =	vand.u32 $0x7, v4;
	v5 =	vand.u32 $0xFFFFFFF0, v5  }
0x47: {  	v4 =	vor.u32 v4, v5  }
0x48: {  	v5 =	vperm.xlane v4, v1;
	_ =	sdelay $0x1  }
0x49: {  	v4 =	vperm.xlane v4, v3;
	v5 =	vadd.s32 v2, v5;
	_ =	sdelay $0x1  }
0x4a: {  	v4 =	vadd.s32 v2, v4;
	_ =	sdelay $0x2  }
0x4b: {  	[tilespmem:s16], [sflag:$0x1] =	stream.indirect_vreg.gather [hbm4b:s2+s3], $0x80, v5, vm0, $0xb8;
	[tilespmem:$0x8080] =	vst v63  }
0x4c: {  	_ = 	snop  }
0x4d: {  	[tilespmem:s17], [sflag:$0x1] =	stream.indirect_vreg.gather [hbm4b:s2+s3], $0x80, v4, vm0, $0xb8;
	[tilespmem:$0x8080] =	vst v63  }
0x4e: {  	v4 =	vld [tilespmem:$0x50];
	_ =	sdelay $0x4  }
0x4f: {  	v5 =	vshll.u32 v4, $0x1  }
0x50: {  	v4 =	vand.u32 $0x7, v4;
	v5 =	vand.u32 $0xFFFFFFF0, v5  }
0x51: {  	v4 =	vor.u32 v4, v5  }
0x52: {  	v5 =	vperm.xlane v4, v1;
	_ =	sdelay $0x1  }
0x53: {  	v4 =	vperm.xlane v4, v3;
	v5 =	vadd.s32 v2, v5;
	_ =	sdelay $0x1  }
0x54: {  	v4 =	vadd.s32 v2, v4;
	_ =	sdelay $0x2  }
0x55: {  	[tilespmem:s18], [sflag:$0x1] =	stream.indirect_vreg.gather [hbm4b:s2+s3], $0x80, v5, vm0, $0xb8;
	[tilespmem:$0x8080] =	vst v63  }
0x56: {  	_ = 	snop  }
0x57: {  	[tilespmem:s19], [sflag:$0x1] =	stream.indirect_vreg.gather [hbm4b:s2+s3], $0x80, v4, vm0, $0xb8;
	[tilespmem:$0x8080] =	vst v63  }
0x58: {  	v4 =	vld [tilespmem:$0x60];
	_ =	sdelay $0x4  }
0x59: {  	v5 =	vshll.u32 v4, $0x1  }
0x5a: {  	v4 =	vand.u32 $0x7, v4;
	v5 =	vand.u32 $0xFFFFFFF0, v5  }
0x5b: {  	v4 =	vor.u32 v4, v5  }
0x5c: {  	v5 =	vperm.xlane v4, v1;
	_ =	sdelay $0x1  }
0x5d: {  	v4 =	vperm.xlane v4, v3;
	v5 =	vadd.s32 v2, v5;
	_ =	sdelay $0x1  }
0x5e: {  	v4 =	vadd.s32 v2, v4;
	_ =	sdelay $0x2  }
0x5f: {  	[tilespmem:s20], [sflag:$0x1] =	stream.indirect_vreg.gather [hbm4b:s2+s3], $0x80, v5, vm0, $0xb8;
	[tilespmem:$0x8080] =	vst v63  }
0x60: {  	_ = 	snop  }
0x61: {  	[tilespmem:s21], [sflag:$0x1] =	stream.indirect_vreg.gather [hbm4b:s2+s3], $0x80, v4, vm0, $0xb8;
	[tilespmem:$0x8080] =	vst v63  }
0x62: {  	v4 =	vld [tilespmem:$0x70];
	_ =	sdelay $0x4  }
0x63: {  	v5 =	vshll.u32 v4, $0x1  }
0x64: {  	v4 =	vand.u32 $0x7, v4;
	v5 =	vand.u32 $0xFFFFFFF0, v5  }
0x65: {  	v4 =	vor.u32 v4, v5  }
0x66: {  	v5 =	vperm.xlane v4, v1;
	_ =	sdelay $0x1  }
0x67: {  	v4 =	vperm.xlane v4, v3;
	v5 =	vadd.s32 v2, v5;
	_ =	sdelay $0x1  }
0x68: {  	v4 =	vadd.s32 v2, v4;
	_ =	sdelay $0x2  }
0x69: {  	[tilespmem:s22], [sflag:$0x1] =	stream.indirect_vreg.gather [hbm4b:s2+s3], $0x80, v5, vm0, $0xb8;
	[tilespmem:$0x8080] =	vst v63  }
0x6a: {  	_ = 	snop  }
0x6b: {  	[tilespmem:s23], [sflag:$0x1] =	stream.indirect_vreg.gather [hbm4b:s2+s3], $0x80, v4, vm0, $0xb8;
	[tilespmem:$0x8080] =	vst v63  }
0x6c: {  	_ =	swait.ge [sflag:s24], $0x8000  }
0x6d: {  	p0 =	sne.s32 s6, $0x1;
	[sflag:s24] =	ssyncset.done $0x0  }
.Ltmp0:
0x6e: {  	[sflag:s24] =	ssyncadd.s32 $0xFFFF8000;
	(pc) =	sbr.rel @p0 .LBB2_1-.Ltmp0, $4  }
0x6f: {  	[hbm4b:s5+s3] =	stream.linear.scatter [tilespmem:s8], [sflag:$0x2], $0x8000, $0x38;
	[tilespmem:$0x8080] =	vst v63  }
0x70: {  	_ =	swait.ge [sflag:s7], $0x8000  }
0x71: {  	[sflag:s7] =	ssyncset.done $0x0  }
0x72: {  	s6 =	sadd.s32 $0xFFFFFFFF, s6;
	[sflag:s7] =	ssyncadd.s32 $0xFFFF8000  }
0x73: {  	_ =	sfence.sel $0x180000  }
0x74: {  	[bflag:$0x0] =	sbarrier.arrive $0xFFFF  }
0x75: {  	p0 =	sne.s32 s1, $0x0;
	_ =	strace $0x9000004A  }
0x76: {  	s0 =	sadd.s32 @!p0 $0x100000, s0;
	[bflag:$0x2] =	sbarrier.arrive $0xFFFF  }
0x77: {  	[sflag:s0] =	ssyncadd.tile.s32 @!p0 $0x1;
	_ =	shalt  }
.Lfunc_end2:
_tile_overlayer_lowered:
.L_overlay_start_2:
0x78: {  	(tag) =	ssettag $0x2  }
0x79: {  	s0 =	rddreg [dreg:$0x0];
	s2 =	stileid.u32  }
0x7a: {  	s1 =	rddreg [dreg:$0x1];
	p0 =	sne.s32 s2, $0x0  }
0x7b: {  	s3 =	rddreg [dreg:$0x2];
	[bflag:$0x3] =	sbarrier.arrive $0xFFFF;
	s2 =	simm.s32 @!p0 $0x1C02  }
0x7c: {  	[timem:s3], [sflag:s2] =	dma.local @!p0 [hbm:s0], s1  }
0x7d: {  	s0 =	simm.s32 @!p0 $0x2  }
0x7e: {  	_ =	swait.ge @!p0 [sflag:s0], s1  }
0x7f: {  	s1 =	ssub.s32 @!p0 $0x0, s1;
	[sflag:s0] =	ssyncset.done @!p0 $0x0  }
0x80: {  	[sflag:s0] =	ssyncadd.s32 @!p0 s1  }
0x81: {  	[bflag:$0x3] =	sbarrier.arrive $0xFFFF  }
0x82: {  	_ =	shalt  }

// kernel: kernel.17.cloned.1.call-start
scs
__scs_entry_jumppad:
0x0: {  	(pc) =	sbr.rel $0x88, $3  }
0x1: {  	(tag) =	ssettag $0x0;
	lr =	simm.s32 $0x1  }
0x2: {  	[smem:$0x3F9F] =	sst lr;
	_ =	strace $0xD0000000  }
0x3: {  	_ = 	snop  }
0x4: {  	_ = 	snop  }
0x5: {  	_ = 	snop  }
0x6: {  	_ = 	snop  }
0x7: {  	_ = 	snop  }
__scs_overlays_trampoline_lowered:
0x8: {  	[smem:$0x3FAE] =	sst s0  }
0x9: {  	[smem:$0x3FAF] =	sst s1  }
0xa: {  	[smem:$0x3FB0] =	sst s2  }
0xb: {  	[smem:$0x3FB1] =	sst s3  }
0xc: {  	[smem:$0x3FB2] =	sst s4  }
0xd: {  	[smem:$0x3FB3] =	sst s5  }
0xe: {  	[smem:$0x3FB4] =	sst s6  }
0xf: {  	[smem:$0x3FB5] =	sst s7  }
0x10: {  	[smem:$0x3FB6] =	sst s8  }
0x11: {  	[smem:$0x3FB7] =	sst s9;
	s0 =	simm.s32 @!p0 $0x0  }
0x12: {  	s1 =	sld [smem:$0x3F9D];
	s0 =	simm.s32 @p0 $0x1  }
0x13: {  	[smem:$0x3FB8] =	sst s0;
	s0 =	simm.s32 @!p1 $0x0  }
0x14: {  	s2 =	sld [smem:$0x3F9C];
	s0 =	simm.s32 @p1 $0x1  }
0x15: {  	[smem:$0x3FB9] =	sst s0;
	s0 =	simm.s32 @!p2 $0x0  }
0x16: {  	s3 =	sld [smem:$0x3FDB];
	s0 =	simm.s32 @p2 $0x1  }
0x17: {  	s4 =	simm.s32 $0x1BF5;
	[smem:$0x3FBB] =	sst s0  }
0x18: {  	s0 =	sld [smem:$0x3F9E];
	_ =	swait.ge [sflag:s4], $0x0  }
0x19: {  	s7 =	sld [smem:$0x3F9F]  }
0x1a: {  	s8 =	sadd.s32 $0xFFFFE003, lr  }
0x1b: {  	s9 =	sadd.s32 $0xFFFFFEF7, lr;
	s5 =	simm.s32 $0xFFFFFFFF;
	p2 =	slt.u32 s8, $0xFFFFF086  }
0x1c: {  	p1 =	slt.u32 s9, $0xF7A;
	s5 =	simm.s32 @!p2 $0x0  }
0x1d: {  	s5 =	simm.s32 @p1 $0x1;
	p0 =	seq.s32 s7, s2  }
0x1e: {  	s7 =	smul.u32 @!p0 $0xF7A, s2;
	p2 =	seq.s32 @!p0 s5, $0x0  }
0x1f: {  	s9 =	smul.u32 $0xF7A, s1;
	s8 =	simm.s32 @!p0 $0x1BF5;
	p2 =	por !p2, p0  }
0x20: {  	[sflag:s8] =	ssyncset.s32 @!p0 $0xFFFFF086;
	s6 =	sadd.s32 @!p0 s3, s7;
	s7 =	simm.s32 @!p0 $0x108  }
0x21: {  	s3 =	sadd.s32 s3, s9;
	s6 =	sadd.s32 @!p0 $0x88, s6;
	s7 =	simm.s32 @p2 $0x1082  }
0x22: {  	[simem:s7], [sflag:s8] =	dma.local @!p0 [hbm:s6], $0xF7A  }
0x23: {  	s9 =	sor.u32 $0xD0000000, s2;
	s6 =	simm.s32 $0x108;
	_ =	swait.ge @!p0 [sflag:s8], $0x0  }
0x24: {  	s3 =	sadd.s32 $0x88, s3;
	s6 =	simm.s32 @!p1 $0x1082;
	[sflag:s4] =	ssyncset.s32 $0xFFFFF086  }
0x25: {  	[simem:s6], [sflag:s4] =	dma.local [hbm:s3], $0xF7A  }
0x26: {  	[smem:$0x3F9F] =	sst s1;
	(tag) =	ssettag s2;
	_ =	strace s9  }
0x27: {  	s1 =	sld [smem:$0x3FAF]  }
0x28: {  	s2 =	sld [smem:$0x3FB0]  }
0x29: {  	s4 =	sld [smem:$0x3FB2]  }
0x2a: {  	p0 =	seq.s32 s5, $0x0;
	s5 =	sld [smem:$0x3FB3]  }
0x2b: {  	s6 =	sld [smem:$0x3FB4]  }
0x2c: {  	s7 =	sld [smem:$0x3FB5]  }
0x2d: {  	s3 =	simm.s32 $0x108;
	s8 =	sld [smem:$0x3FB6]  }
0x2e: {  	s3 =	simm.s32 @!p0 $0x1082;
	s9 =	sld [smem:$0x3FB7]  }
0x2f: {  	lr =	sadd.s32 s0, s3;
	s0 =	sld [smem:$0x3FAE]  }
0x30: {  	s3 =	sld [smem:$0x3FB1]  }
0x31: {  	[smem:$0x3FBA] =	sst s10  }
0x32: {  	s10 =	sld [smem:$0x3FB8];
	_ =	sdelay $0x3  }
0x33: {  	p0 =	seq.s32 s10, $0x1;
	s10 =	sld [smem:$0x3FBA];
	_ =	sdelay $0x3  }
0x34: {  	[smem:$0x3FBA] =	sst s10  }
0x35: {  	s10 =	sld [smem:$0x3FB9];
	_ =	sdelay $0x3  }
0x36: {  	p1 =	seq.s32 s10, $0x1;
	s10 =	sld [smem:$0x3FBA];
	_ =	sdelay $0x3  }
0x37: {  	[smem:$0x3FBA] =	sst s10  }
0x38: {  	s10 =	sld [smem:$0x3FBB]  }
0x39: {  	_ = 	snop;
	(pc) =	sbr.ind lr, $3  }
0x3a: {  	_ = 	snop  }
0x3b: {  	_ = 	snop  }
0x3c: {  	p2 =	seq.s32 s10, $0x1;
	s10 =	sld [smem:$0x3FBA]  }
0x3d: {  	_ =	shalt  }
0x3e: {  	_ =	shalt  }
0x3f: {  	_ =	shalt  }
0x40: {  	_ =	shalt  }
0x41: {  	_ =	shalt  }
0x42: {  	_ =	shalt  }
0x43: {  	_ =	shalt  }
0x44: {  	_ =	shalt  }
0x45: {  	_ =	shalt  }
0x46: {  	_ =	shalt  }
0x47: {  	_ =	shalt  }
0x48: {  	_ =	shalt  }
0x49: {  	_ =	shalt  }
0x4a: {  	_ =	shalt  }
0x4b: {  	_ =	shalt  }
0x4c: {  	_ =	shalt  }
0x4d: {  	_ =	shalt  }
0x4e: {  	_ =	shalt  }
0x4f: {  	_ =	shalt  }
0x50: {  	_ =	shalt  }
0x51: {  	_ =	shalt  }
0x52: {  	_ =	shalt  }
0x53: {  	_ =	shalt  }
0x54: {  	_ =	shalt  }
0x55: {  	_ =	shalt  }
0x56: {  	_ =	shalt  }
0x57: {  	_ =	shalt  }
0x58: {  	_ =	shalt  }
0x59: {  	_ =	shalt  }
0x5a: {  	_ =	shalt  }
0x5b: {  	_ =	shalt  }
0x5c: {  	_ =	shalt  }
0x5d: {  	_ =	shalt  }
0x5e: {  	_ =	shalt  }
0x5f: {  	_ =	shalt  }
0x60: {  	_ =	shalt  }
0x61: {  	_ =	shalt  }
0x62: {  	_ =	shalt  }
0x63: {  	_ =	shalt  }
0x64: {  	_ =	shalt  }
0x65: {  	_ =	shalt  }
0x66: {  	_ =	shalt  }
0x67: {  	_ =	shalt  }
0x68: {  	_ =	shalt  }
0x69: {  	_ =	shalt  }
0x6a: {  	_ =	shalt  }
0x6b: {  	_ =	shalt  }
0x6c: {  	_ =	shalt  }
0x6d: {  	_ =	shalt  }
0x6e: {  	_ =	shalt  }
0x6f: {  	_ =	shalt  }
0x70: {  	_ =	shalt  }
0x71: {  	_ =	shalt  }
0x72: {  	_ =	shalt  }
0x73: {  	_ =	shalt  }
0x74: {  	_ =	shalt  }
0x75: {  	_ =	shalt  }
0x76: {  	_ =	shalt  }
0x77: {  	_ =	shalt  }
0x78: {  	_ =	shalt  }
0x79: {  	_ =	shalt  }
0x7a: {  	_ =	shalt  }
0x7b: {  	_ =	shalt  }
0x7c: {  	_ =	shalt  }
0x7d: {  	_ =	shalt  }
0x7e: {  	_ =	shalt  }
0x7f: {  	_ =	shalt  }
0x80: {  	_ =	shalt  }
0x81: {  	_ =	shalt  }
0x82: {  	_ =	shalt  }
0x83: {  	_ =	shalt  }
0x84: {  	_ =	shalt  }
0x85: {  	_ =	shalt  }
0x86: {  	_ =	shalt  }
0x87: {  	_ =	shalt  }
.Lfunc_end0:
.L_simem_size_0:
called_computation.2_lowered:
.L_overlay_start_0:
0x88: {  	s2 =	sld [smem:$0x3FD9]  }
0x89: {  	s3 =	sld [smem:$0x3FFE];
	_ =	sdelay $0x1  }
0x8a: {  	s1 =	srdreg.scid  }
0x8b: {  	s0 =	sand.u32 $0x1, s1  }
0x8c: {  	s16 =	sshll.u32 s0, $0xA;
	s2 =	sadd.s32 s3, s2  }
0x8d: {  	s2 =	sadd.s32 s2, s16  }
0x8e: {  	[smem:$0x3FC6] =	sst s2  }
0x8f: {  	_ = 	snop  }
0x90: {  	(tm) =	ssettm $0x1  }
0x91: {  	s17 =	sld [smem:$0x3FFB];
	_ =	sdelay $0x3  }
0x92: {  	_ =	strace s17  }
0x93: {  	s2 =	sld [smem:$0x3FFC];
	_ =	sdelay $0x3  }
0x94: {  	_ =	strace s2  }
0x95: {  	s2 =	sld [smem:$0x3FFD];
	_ =	sdelay $0x3  }
0x96: {  	_ =	strace s2  }
0x97: {  	_ =	strace $0x8FFFFFFF  }
0x98: {  	s18 =	sld [smem:$0x3FDB];
	_ =	sdelay $0x1  }
0x99: {  	s19 =	simm.s32 $_scs_section_size  }
0x9a: {  	s4 =	simm.s32 $_size__tile_overlayer_lowered;
	s5 =	simm.s32 $_tile_overlayer_lowered  }
0x9b: {  	s22 =	simm.s32 $0x1BFF;
	s21 =	sshll.u32 s5, $0x1;
	s2 =	sadd.s32 s19, s18  }
0x9c: {  	s6 =	simm.s32 $0x0;
	s20 =	sshll.u32 s4, $0x1;
	s4 =	sadd.s32 s21, s2  }
0x9d: {  	[timem:s6], [sflag:s22] =	dma.local [hbm:s4], s20  }
0x9e: {  	_ =	swait.ge [sflag:s22], s20  }
0x9f: {  	s3 =	ssub.s32 $0x0, s20;
	[sflag:s22] =	ssyncset.done $0x0  }
0xa0: {  	[sflag:s22] =	ssyncadd.s32 s3;
	_ =	sdelay $0x1  }
0xa1: {  	s23 =	simm.s32 $0x1B8B  }
0xa2: {  	_ =	swait.ge [sflag:s23], $0x1  }
0xa3: {  	[sflag:s23] =	ssyncset.done $0x0  }
0xa4: {  	s25 =	simm.s32 $0x1B8E;
	s24 =	sld [smem:$0x3FFE];
	[sflag:s23] =	ssyncadd.s32 $0xFFFFFFFF  }
0xa5: {  	s26 =	simm.s32 $execute0_lowered;
	[smem:$0x3FD2] =	sst s25  }
0xa6: {  	s4 =	sshll.u32 s26, $0x1;
	_ =	strace $0x80000046;
	[dreg:$0x1] =	wrdreg $0xFFFFFFFF  }
0xa7: {  	s28 =	simm.s32 $_size_execute0_lowered;
	s2 =	sadd.s32 s2, s4;
	[dreg:$0x0] =	wrdreg $0x0  }
0xa8: {  	s4 =	sshll.u32 s28, $0x1;
	[dreg:$0x2] =	wrdreg s2  }
0xa9: {  	[dreg:$0x3] =	wrdreg s4  }
0xaa: {  	[dreg:$0x4] =	wrdreg $0xC0  }
0xab: {  	_ =	task [dreg:s6], $0x5FFFF  }
0xac: {  	[dreg:$0x1] =	wrdreg $0xFFFFFFFF  }
0xad: {  	[dreg:$0x0] =	wrdreg $0x60  }
0xae: {  	[dreg:$0x2] =	wrdreg s24  }
0xaf: {  	[dreg:$0x3] =	wrdreg $0xB  }
0xb0: {  	_ =	task.clear_ibuf [dreg:s6], $0x4FFFF;
	_ =	strace $0x90000046  }
0xb1: {  	s29 =	simm.s32 $0xB;
	_ =	strace $0x80000048  }
0xb2: {  	_ =	swait.ge [sflag:s29], $0x1  }
0xb3: {  	[sflag:s29] =	ssyncadd.s32 $0xFFFFFFFF  }
0xb4: {  	_ =	strace $0x90000048  }
0xb5: {  	_ =	sfence  }
0xb6: {  	s30 =	sld [smem:$0x0];
	_ =	sdelay $0x2  }
0xb7: {  	s31 =	sshll.u32 s1, $0xD;
	s1 =	sshrl.u32 s1, $0x2  }
0xb8: {  	s3 =	sand.u32 $0x4000, s31;
	s1 =	sadd.s32 s1, s30  }
0xb9: {  	s0 =	sor.u32 s3, s0;
	s1 =	sshll.u32 s1, $0x11  }
0xba: {  	s0 =	sor.u32 s1, s0  }
0xbb: {  	s0 =	sadd.s32 $0x8F2B, s0  }
0xbc: {  	[sflag:s0] =	ssyncadd.remote.s32 $0x1  }
0xbd: {  	_ =	sfence.sel $0xFFFF  }
0xbe: {  	[dreg:$0x0] =	wrdreg $0xFFFFFFFF;
	(pc) =	sbr.abs _section_cstart, $3  }
0xbf: {  	[dreg:$0x1] =	wrdreg $0xFFFFFFFF  }
0xc0: {  	_ =	task.clear_ibuf [dreg:s6], $0x2FFFF;
	_ =	strace $0x9FFFFFFF  }
0xc1: {  	(tm) =	ssettm $0x7FFFFFFF  }
tec
execute0_lowered:
.L_overlay_start_1:
0x0: {  	(tag) =	ssettag $0x1  }
0x1: {  	s4 =	rddreg [dreg:$0x0]  }
0x2: {  	s0 =	rddreg [dreg:$0x1];
	s1 =	simm.s32 $0x0  }
0x3: {  	s5 =	srdreg.scid;
	s2 =	stileid.u32;
	s11 =	simm.s32 $0x0  }
0x4: {  	[smem:$0x7FF] =	sst s1;
	s3 =	sadd.s32 $0x5C00, s4;
	s5 =	sand.u32 $0x1, s5  }
0x5: {  	s6 =	sshll.u32 s2, $0xA;
	s28 =	sshll.u32 s2, $0x11;
	s29 =	sshll.u32 s2, $0xB  }
0x6: {  	_ =	strace $0x80000047;
	s7 =	sshll.u32 s5, $0x9;
	s8 =	ssub.s32 $0x2, s5  }
0x7: {  	s30 =	sshll.u32 s5, $0x10;
	s10 =	sand.u32 $0x6000, s29;
	s6 =	sor.u32 s7, s6  }
0x8: {  	s9 =	sshrl.u32 s8, $0x1;
	s7 =	sadd.s32 s28, s4;
	v0 =	vmov s10;
	s10 =	simm.s32 $0x1  }
0x9: {  	s6 =	sadd.s32 s6, s4;
	s8 =	ssub.s32 s8, s9;
	s31 =	sadd.s32 s30, s7  }
0xa: {  	s7 =	simm.s32 $0x2;
	s9 =	simm.s32 $0x1000;
	s4 =	sadd.s32 $0x1C00, s6  }
0xb: {  	s5 =	smax.u32 s8, $0x1;
	s6 =	sadd.s32 $0x85C00, s31;
	s8 =	simm.s32 $0x80  }
.LBB2_1:
0xc: {  	[tilespmem:s1], [sflag:$0x2] =	stream.linear.gather [hbm4b:s4+s1], $0x1000, $0x38;
	[tilespmem:$0x5000] =	vst v63  }
0xd: {  	_ =	swait.ge [sflag:s7], $0x1000  }
0xe: {  	[sflag:s7] =	ssyncset.done $0x0  }
0xf: {  	s12 =	simm.s32 $0x0;
	s13 =	simm.s32 $0x40;
	[sflag:s7] =	ssyncadd.s32 $0xFFFFF000  }
.LBB2_2:
0x10: {  	p0 =	sne.s32 s13, $0x3FC0;
	v1 =	vld [tilespmem:s12+$0x0];
	_ =	sdelay $0x1  }
.Ltmp0:
0x11: {  	(pc) =	sbr.rel @p0 .LBB2_2-.Ltmp0, $3  }
0x12: {  	_ =	sdelay $0x1  }
0x13: {  	v1 =	vadd.s32 v0, v1  }
0x14: {  	[tilespmem:s12+$0x0] =	vst v1;
	s12 =	sshra.s32 s13, $0x2;
	s13 =	sadd.s32 $0x40, s13  }
0x15: {  	v1 =	vld [tilespmem:s12+$0x0];
	_ =	sdelay $0x4  }
0x16: {  	v1 =	vadd.s32 v0, v1  }
0x17: {  	s31 =	simm.s32 $0x0;
	[tilespmem:s12+$0x0] =	vst v1  }
0x18: {  	[tilespmem:s9], [sflag:$0x1] =	stream.indirect.gather [hbm4b:s3+s8], $0x80, s31, s8, $0xb8;
	[tilespmem:$0x5000] =	vst v63  }
0x19: {  	_ =	swait.ge [sflag:s10], $0x4000  }
0x1a: {  	[sflag:s10] =	ssyncset.done $0x0  }
0x1b: {  	[sflag:s10] =	ssyncadd.s32 $0xFFFFC000  }
0x1c: {  	[hbm4b:s6+s1] =	stream.linear.scatter [tilespmem:s9], [sflag:$0x2], $0x4000, $0x38;
	[tilespmem:$0x5000] =	vst v63  }
0x1d: {  	s13 =	simm.s32 $0x200;
	_ =	swait.ge [sflag:s7], $0x4000  }
0x1e: {  	s14 =	simm.s32 $0x400;
	s12 =	sadd.s32 $0x800, s6;
	[sflag:s7] =	ssyncset.done $0x0  }
.LBB2_4:
0x1f: {  	s15 =	sshra.s32 s13, $0x2  }
0x20: {  	[sflag:s7] =	ssyncadd.s32 $0xFFFFC000;
	s13 =	smov.u32 s14;
	s16 =	sadd.s32 $0x200, s14  }
0x21: {  	[tilespmem:s9], [sflag:$0x1] =	stream.indirect.gather [hbm4b:s3+s8], $0x80, s15, s8, $0xb8;
	[tilespmem:$0x5000] =	vst v63  }
0x22: {  	p0 =	sne.s32 s14, $0x3E00;
	_ =	swait.ge [sflag:s10], $0x4000  }
.Ltmp1:
0x23: {  	[sflag:s10] =	ssyncset.done $0x0;
	(pc) =	sbr.rel @p0 .LBB2_4-.Ltmp1, $4  }
0x24: {  	[sflag:s10] =	ssyncadd.s32 $0xFFFFC000  }
0x25: {  	[hbm4b:s12+s1] =	stream.linear.scatter [tilespmem:s9], [sflag:$0x2], $0x4000, $0x38;
	[tilespmem:$0x5000] =	vst v63  }
0x26: {  	_ =	swait.ge [sflag:s7], $0x4000  }
0x27: {  	s14 =	smov.u32 s16;
	s12 =	sadd.s32 $0x800, s12;
	[sflag:s7] =	ssyncset.done $0x0  }
0x28: {  	s13 =	sshra.s32 s13, $0x2;
	[sflag:s7] =	ssyncadd.s32 $0xFFFFC000  }
0x29: {  	[tilespmem:s9], [sflag:$0x1] =	stream.indirect.gather [hbm4b:s3+s8], $0x80, s13, s8, $0xb8;
	[tilespmem:$0x5000] =	vst v63  }
0x2a: {  	s11 =	sadd.s32 $0x1, s11;
	_ =	swait.ge [sflag:s10], $0x4000  }
0x2b: {  	p0 =	sne.s32 s11, s5;
	[sflag:s10] =	ssyncset.done $0x0  }
.Ltmp2:
0x2c: {  	[sflag:s10] =	ssyncadd.s32 $0xFFFFC000;
	(pc) =	sbr.rel @p0 .LBB2_1-.Ltmp2, $4  }
0x2d: {  	[hbm4b:s12+s1] =	stream.linear.scatter [tilespmem:s9], [sflag:$0x2], $0x4000, $0x38;
	[tilespmem:$0x5000] =	vst v63  }
0x2e: {  	_ =	swait.ge [sflag:s7], $0x4000  }
0x2f: {  	[sflag:s7] =	ssyncset.done $0x0  }
0x30: {  	[sflag:s7] =	ssyncadd.s32 $0xFFFFC000  }
0x31: {  	_ =	sfence.sel $0x180000  }
0x32: {  	[bflag:$0x0] =	sbarrier.arrive $0xFFFF  }
0x33: {  	p0 =	sne.s32 s2, $0x0;
	_ =	strace $0x90000047  }
0x34: {  	s0 =	sadd.s32 @!p0 $0x100000, s0;
	[bflag:$0x2] =	sbarrier.arrive $0xFFFF  }
0x35: {  	[sflag:s0] =	ssyncadd.tile.s32 @!p0 $0x1;
	_ =	shalt  }
.Lfunc_end2:
_tile_overlayer_lowered:
.L_overlay_start_2:
0x36: {  	(tag) =	ssettag $0x2  }
0x37: {  	s0 =	rddreg [dreg:$0x0];
	s2 =	stileid.u32  }
0x38: {  	s1 =	rddreg [dreg:$0x1];
	p0 =	sne.s32 s2, $0x0  }
0x39: {  	s3 =	rddreg [dreg:$0x2];
	[bflag:$0x3] =	sbarrier.arrive $0xFFFF;
	s2 =	simm.s32 @!p0 $0x1C02  }
0x3a: {  	[timem:s3], [sflag:s2] =	dma.local @!p0 [hbm:s0], s1  }
0x3b: {  	s0 =	simm.s32 @!p0 $0x2  }
0x3c: {  	_ =	swait.ge @!p0 [sflag:s0], s1  }
0x3d: {  	s1 =	ssub.s32 @!p0 $0x0, s1;
	[sflag:s0] =	ssyncset.done @!p0 $0x0  }
0x3e: {  	[sflag:s0] =	ssyncadd.s32 @!p0 s1  }
0x3f: {  	[bflag:$0x3] =	sbarrier.arrive $0xFFFF  }
0x40: {  	_ =	shalt  }

</sc_bundles>
